<compile_context>
chip_gen: v7x
topology: tpu7x:2x2x1
jax: 0.10.2.dev20260603
libtpu: 0.0.44.dev20260713+nightly
codegen_flags: <defaults>
</compile_context>

<pallas_src>
import functools

import jax
import jax.numpy as jnp
import numpy as np
from jax import lax
from jax.experimental import pallas as pl
from jax.experimental.pallas import tpu as pltpu
from jax.experimental.pallas import tpu_sc as plsc

B, L = 16, 8
H = 256
E = 128
MN = 32
MS = 65536
NR = 2
NQ = L * NR
G = 4
CHUNK = 32768
CS = CHUNK // G
HCS = CS // 2
NCHUNK = MS // CHUNK
INV_SQRT_MN = 1.0 / float(np.sqrt(32.0))
GQ = G * NQ
GM = G * MN


def _sc_gather(aw, dw, past2d, ac_flat, dn_flat, xw_flat):
    mesh = plsc.VectorSubcoreMesh(core_axis_name="c", subcore_axis_name="s")

    @functools.partial(
        pl.kernel,
        mesh=mesh,
        out_type=[
            jax.ShapeDtypeStruct((B * L, E), jnp.float32),
            jax.ShapeDtypeStruct((B * L, E), jnp.float32),
            jax.ShapeDtypeStruct((B * L, 128), jnp.float32),
        ],
        scratch_types=[
            pltpu.VMEM((16,), jnp.int32),
            pltpu.VMEM((16,), jnp.int32),
            pltpu.VMEM((16, E), jnp.float32),
            pltpu.SemaphoreType.DMA,
        ],
    )
    def k(aw_h, dw_h, past_h, ac_h, dn_h, xw_h, ae_o, de_o, old_o,
          idx_v, idx2_v, rows_v, sem):
        c = lax.axis_index("c")
        s = lax.axis_index("s")
        wid = s * 2 + c
        grp = wid // 8
        base = pl.multiple_of((wid % 8) * 16, 16)

        @pl.when(grp == 0)
        def _():
            pltpu.sync_copy(ac_h.at[pl.ds(base, 16)], idx_v)
            pltpu.async_copy(aw_h.at[idx_v], rows_v, sem).wait()
            pltpu.sync_copy(rows_v, ae_o.at[pl.ds(base, 16)])

        @pl.when(grp == 1)
        def _():
            pltpu.sync_copy(dn_h.at[pl.ds(base, 16)], idx_v)
            pltpu.async_copy(dw_h.at[idx_v], rows_v, sem).wait()
            pltpu.sync_copy(rows_v, de_o.at[pl.ds(base, 16)])

        @pl.when(grp == 2)
        def _():
            pltpu.sync_copy(xw_h.at[pl.ds(base, 16)], idx_v)
            xv = idx_v[...]
            half = lax.shift_right_logical(
                lax.broadcasted_iota(jnp.int32, (16,), 0), 3)
            brow = (base // 8) + half
            idx2_v[...] = lax.shift_right_logical(xv + brow * MS, 2)
            pltpu.async_copy(past_h.at[idx2_v], rows_v, sem).wait()
            pltpu.sync_copy(rows_v, old_o.at[pl.ds(base, 16)])

    return k(aw, dw, past2d, ac_flat, dn_flat, xw_flat)


def _stream_body(past_ref, state_ref, wt_ref, bt_ref, wrk0_ref, wrk1_ref,
                 pstate_ref, ae_ref, de_ref, old_ref, rw_ref, noise_ref,
                 xwr_ref, xwc_ref, wwrh_ref, wwre_ref,
                 wo1_ref, wo2a_ref, wo2b_ref,
                 y_ref, bd_s, acc_a, acc_b, se_s, hread_s, keys_s):
    i = pl.program_id(1)

    @pl.when(i == 0)
    def _():
        a_state = state_ref[0, 0]
        t_state = state_ref[0, 1]
        hread = t_state + jax.nn.gelu(
            jnp.dot(a_state, wt_ref[...]) + bt_ref[...])
        hread_s[...] = hread
        keys = jnp.concatenate(
            [jnp.dot(hread, wrk0_ref[...]),
             jnp.dot(hread, wrk1_ref[...])], axis=0)
        keys_s[...] = keys
        kt = jnp.transpose(keys)
        t1 = jnp.concatenate([kt] * G, axis=0)
        t2 = jnp.concatenate([t1] * G, axis=1)
        rowg = lax.broadcasted_iota(jnp.int32, (GM, GQ), 0) // MN
        colg = lax.broadcasted_iota(jnp.int32, (GM, GQ), 1) // NQ
        bd_s[...] = jnp.where(rowg == colg, t2, 0.0)
        acc_a[...] = jnp.zeros_like(acc_a)
        acc_b[...] = jnp.zeros_like(acc_b)
        se_s[...] = jnp.zeros_like(se_s)

    bd = bd_s[...]
    ca = past_ref[0:HCS]
    cb = past_ref[HCS:CS]
    la = jnp.dot(ca, bd)
    lb = jnp.dot(cb, bd)
    pa = jnp.exp(la * INV_SQRT_MN)
    pb = jnp.exp(lb * INV_SQRT_MN)
    se_s[...] += (jnp.sum(pa, axis=0, keepdims=True)
                  + jnp.sum(pb, axis=0, keepdims=True))
    acc_a[...] += lax.dot_general(pa, ca, (((0,), (0,)), ((), ())))
    acc_b[...] += lax.dot_general(pb, cb, (((0,), (0,)), ((), ())))

    @pl.when(i == NCHUNK - 1)
    def _():
        a_ps = pstate_ref[0, 0]
        t_ps = pstate_ref[0, 1]
        hwrite = t_ps + jax.nn.gelu(jnp.dot(a_ps, wt_ref[...]) + bt_ref[...])
        ard = ae_ref[0] + (rw_ref[0] + noise_ref[0]) + de_ref[0]
        v = jnp.dot(hwrite, wwrh_ref[...]) + jnp.dot(ard, wwre_ref[...])
        keys = keys_s[...]
        wide = old_ref[0]
        sub = jnp.bitwise_and(xwc_ref[0], G - 1)
        old = jnp.zeros((L, MN), jnp.float32)
        for g in range(G):
            old = old + jnp.where(sub == g, wide[:, g * MN:(g + 1) * MN], 0.0)
        lo = lax.dot_general(old, keys, (((1,), (1,)), ((), ()))) * INV_SQRT_MN
        ln = lax.dot_general(v, keys, (((1,), (1,)), ((), ()))) * INV_SQRT_MN
        eq = xwc_ref[0] == xwr_ref[0]
        later = (lax.broadcasted_iota(jnp.int32, (L, L), 1)
                 > lax.broadcasted_iota(jnp.int32, (L, L), 0))
        dup = jnp.any(eq & later, axis=1, keepdims=True)
        valid = jnp.where(dup, 0.0, 1.0)
        elo = jnp.exp(lo) * valid
        eln = jnp.exp(ln) * valid
        seg = se_s[...]
        accg = acc_a[...] + acc_b[...]
        se16 = jnp.zeros((1, NQ), jnp.float32)
        acc16 = jnp.zeros((NQ, MN), jnp.float32)
        for g in range(G):
            se16 = se16 + seg[:, g * NQ:(g + 1) * NQ]
            acc16 = acc16 + accg[g * NQ:(g + 1) * NQ, g * MN:(g + 1) * MN]
        se = se16 + jnp.sum(eln - elo, axis=0, keepdims=True)
        acc = (acc16
               + lax.dot_general(eln, v, (((0,), (0,)), ((), ())))
               - lax.dot_general(elo, old, (((0,), (0,)), ((), ()))))
        eye = (lax.broadcasted_iota(jnp.int32, (NQ, NQ), 0)
               == lax.broadcasted_iota(jnp.int32, (NQ, NQ), 1))
        se_col = jnp.sum(jnp.where(eye, se, 0.0), axis=1, keepdims=True)
        reads = acc / se_col
        y = (jnp.dot(hread_s[...], wo1_ref[...])
             + jnp.dot(reads[0:L], wo2a_ref[...])
             + jnp.dot(reads[L:NQ], wo2b_ref[...]))
        y_ref[0] = y


def _stream_call(past2d, state, Wt, bt2, Wrk0, Wrk1, pstate, ae3, de3,
                 old3, rw_col, noise3, xw_row, xw_col, Wwrh, Wwre,
                 Wo1, Wo2a, Wo2b, interpret=False):
    const = lambda *blk: pl.BlockSpec(blk, lambda b, i: (0,) * len(blk))
    perb = lambda *blk: pl.BlockSpec(blk, lambda b, i: (b,) + (0,) * (len(blk) - 1))
    return pl.pallas_call(
        _stream_body,
        grid=(B, NCHUNK),
        in_specs=[
            pl.BlockSpec((CS, GM), lambda b, i: (b * NCHUNK + i, 0)),
            perb(1, 2, L, H),
            const(H, H),
            const(1, H),
            const(H, MN),
            const(H, MN),
            perb(1, 2, L, H),
            perb(1, L, E),
            perb(1, L, E),
            perb(1, L, 128),
            perb(1, L, 1),
            perb(1, L, E),
            perb(1, 1, L),
            perb(1, L, 1),
            const(H, MN),
            const(E, MN),
            const(H, H),
            const(MN, H),
            const(MN, H),
        ],
        out_specs=perb(1, L, H),
        out_shape=jax.ShapeDtypeStruct((B, L, H), jnp.float32),
        scratch_shapes=[
            pltpu.VMEM((GM, GQ), jnp.float32),
            pltpu.VMEM((GQ, GM), jnp.float32),
            pltpu.VMEM((GQ, GM), jnp.float32),
            pltpu.VMEM((1, GQ), jnp.float32),
            pltpu.VMEM((L, H), jnp.float32),
            pltpu.VMEM((NQ, MN), jnp.float32),
        ],
        compiler_params=pltpu.CompilerParams(
            dimension_semantics=("parallel", "arbitrary")),
        interpret=interpret,
    )(past2d, state, Wt, bt2, Wrk0, Wrk1, pstate, ae3, de3, old3,
      rw_col, noise3, xw_row, xw_col, Wwrh, Wwre, Wo1, Wo2a, Wo2b)


def kernel(state, pstate, ac, rw, dn, x_w, step, params, past,
           Wt, bt, aw, dw, W_wr, W_rk, W_o):
    noise = 0.001 * jax.random.normal(
        jax.random.key(1), (B, L, E), dtype=jnp.float32)
    past2d = past.reshape(B * MS // G, GM)
    bt2 = bt.reshape(1, H)
    ae_f, de_f, old_f = _sc_gather(
        aw, dw, past2d,
        ac.reshape(B * L), dn.reshape(B * L), x_w.reshape(B * L))
    y = _stream_call(
        past2d, state, Wt, bt2, W_rk[:H, 0:MN], W_rk[:H, MN:2 * MN],
        pstate, ae_f.reshape(B, L, E), de_f.reshape(B, L, E),
        old_f.reshape(B, L, 128),
        rw.reshape(B, L, 1), noise,
        x_w.reshape(B, 1, L), x_w.reshape(B, L, 1),
        W_wr[:H], W_wr[H:],
        W_o[:H], W_o[H + E:H + E + MN], W_o[H + E + MN:])
    return y

# --- scband reference (transcript-rebuilt; emitter-appended) ---
"""Pipeline reference for scband-global-memory-82583631167525 (READ-ONLY COPY).

The authoritative reference and input builder live on the scoring server;
editing this copy changes nothing except your own understanding.
"""

import jax, jax.numpy as jnp
import numpy as np

B, L = 16, 8
H = 256          # h_size
E = 128          # encoder_size
A = 1000         # action_dim
MN = 32          # word size m*n = 8*4
MS = 65536       # max_size (memory slots)
NR = 2           # n_read heads


def setup_inputs(seed: int = 0) -> dict:
    key = jax.random.key(seed)
    ks = jax.random.split(key, 16)
    state = jax.random.normal(ks[0], (B, 2, L, H), dtype=jnp.float32)
    pstate = jax.random.normal(ks[1], (B, 2, L, H), dtype=jnp.float32)
    ac = jax.random.randint(ks[2], (B, L), 0, A, dtype=jnp.int32)
    rw = jax.random.normal(ks[3], (B, L), dtype=jnp.float32)
    dn = jax.random.randint(ks[4], (B, L), 0, 2, dtype=jnp.int32)
    x_w = jax.random.randint(ks[5], (B, L), 0, MS, dtype=jnp.int32)
    past = jax.random.normal(ks[6], (B, MS, MN), dtype=jnp.float32) * 0.05
    # learned parameters
    Wt = jax.random.normal(ks[7], (H, H), dtype=jnp.float32) * 0.05   # dense t (he-normal-ish)
    bt = jnp.zeros((H,), dtype=jnp.float32)
    aw = jax.random.normal(ks[8], (A, E), dtype=jnp.float32)          # action embedding
    dw = jax.random.normal(ks[9], (2, E), dtype=jnp.float32)          # done embedding
    W_wr = jax.random.normal(ks[10], (H + E, MN), dtype=jnp.float32) * 0.05   # write-word projection
    W_rk = jax.random.normal(ks[11], (H + E, NR * MN), dtype=jnp.float32) * 0.05  # read-key projection
    W_o = jax.random.normal(ks[12], (H + E + NR * MN, H), dtype=jnp.float32) * 0.05  # output projection
    return {"state": state, "pstate": pstate, "ac": ac, "rw": rw, "dn": dn,
            "x_w": x_w, "step": 0, "params": 0, "past": past,
            "Wt": Wt, "bt": bt, "aw": aw, "dw": dw,
            "W_wr": W_wr, "W_rk": W_rk, "W_o": W_o}


def reference(state, pstate, ac, rw, dn, x_w, step, params, past,
              Wt, bt, aw, dw, W_wr, W_rk, W_o):
    # --- GlobalMemory.call ---
    ae = jnp.take(aw, ac, axis=0)                       # gather action embedding [B,L,E]
    noise = 0.001 * jax.random.normal(jax.random.key(1), ae.shape, dtype=jnp.float32)
    re = rw[:, :, None] + noise                         # reward embedding (mean=rw, std=0.001)
    de = jnp.take(dw, dn, axis=0)                       # gather done embedding [B,L,E]
    ard = ae + re + de
    a_state, t_state = state[:, 0], state[:, 1]
    a_pstate, t_pstate = pstate[:, 0], pstate[:, 1]
    hread = t_state + jax.nn.gelu(a_state @ Wt + bt)    # t() dense+gelu residual
    hwrite = t_pstate + jax.nn.gelu(a_pstate @ Wt + bt)
    f_read = jnp.concatenate([hread, jnp.zeros_like(ard)], axis=-1)   # [B,L,H+E]
    f_write = jnp.concatenate([hwrite, ard], axis=-1)                 # [B,L,H+E]
    # --- tdnc_v2 memory: indexed scatter write + content-addressed read ---
    v = f_write @ W_wr                                  # write words [B,L,MN]
    b_idx = jnp.broadcast_to(jnp.arange(B)[:, None], (B, L))
    M2 = past.at[b_idx, x_w].set(v)                     # scatter-overwrite into memory [B,MS,MN]
    keys = (f_read @ W_rk).reshape(B, L, NR, MN)        # read keys
    logits = jnp.einsum('blrm,bsm->blrs', keys, M2) / jnp.sqrt(float(MN))
    attn = jax.nn.softmax(logits, axis=-1)              # content addressing over MS slots
    reads = jnp.einsum('blrs,bsm->blrm', attn, M2).reshape(B, L, NR * MN)
    y = jnp.concatenate([f_read, reads], axis=-1) @ W_o # [B,L,H]
    return y

if __name__ == "__main__":
    import jax
    _d = setup_inputs()
    print(jax.jit(kernel)(*tuple(_d.values())))

</pallas_src>

<mosaic_0001>
#map = affine_map<(d0, d1) -> (0, 0)>
#map1 = affine_map<(d0, d1) -> (0)>
module attributes {stable_mosaic.version = 14 : i64} {
  func.func @k(%arg0: i32, %arg1: i32, %arg2: memref<1000x128xf32, #tpu.memory_space<hbm>>, %arg3: memref<2x128xf32, #tpu.memory_space<hbm>>, %arg4: memref<262144x128xf32, #tpu.memory_space<hbm>>, %arg5: memref<128xi32, #tpu.memory_space<hbm>>, %arg6: memref<128xi32, #tpu.memory_space<hbm>>, %arg7: memref<128xi32, #tpu.memory_space<hbm>>, %arg8: memref<128x128xf32, #tpu.memory_space<hbm>>, %arg9: memref<128x128xf32, #tpu.memory_space<hbm>>, %arg10: memref<128x128xf32, #tpu.memory_space<hbm>>, %arg11: memref<16xi32, #tpu.memory_space<vmem>>, %arg12: memref<16xi32, #tpu.memory_space<vmem>>, %arg13: memref<16x128xf32, #tpu.memory_space<vmem>>, %arg14: memref<!tpu.dma_semaphore, #tpu.memory_space<semaphore_mem>>) attributes {dimension_semantics = [#tpu.dimension_semantics<core_parallel>, #tpu.dimension_semantics<subcore_parallel>], iteration_bounds = array<i64: 2, 16>, scalar_prefetch = 0 : i64, scratch_operands = 4 : i64, tpu.core_type = #tpu.core_type<sc_vector_subcore>, window_params = [{transform_indices = #map}, {transform_indices = #map}, {transform_indices = #map}, {transform_indices = #map1}, {transform_indices = #map1}, {transform_indices = #map1}, {transform_indices = #map}, {transform_indices = #map}, {transform_indices = #map}]} {
    %mul3A = arith.constant 2 : i32
    %mul3A_0 = arith.muli %arg1, %mul3A : i32
    %add3A = arith.addi %mul3A_0, %arg0 : i32
    %jit3A = arith.constant 8 : i32
    %div3A = arith.divsi %add3A, %jit3A : i32
    %sign3A = arith.constant 0 : i32
    %sign3A_1 = arith.cmpi sgt, %add3A, %sign3A : i32
    %sign3A_2 = arith.extui %sign3A_1 : i1 to i32
    %sign3A_3 = arith.constant 0 : i32
    %sign3A_4 = arith.cmpi slt, %add3A, %sign3A_3 : i32
    %sign3A_5 = arith.extui %sign3A_4 : i1 to i32
    %sign3A_6 = arith.subi %sign3A_2, %sign3A_5 : i32
    %sign3A_7 = arith.constant 0 : i32
    %sign3A_8 = arith.cmpi sgt, %jit3A, %sign3A_7 : i32
    %sign3A_9 = arith.extui %sign3A_8 : i1 to i32
    %sign3A_10 = arith.constant 0 : i32
    %sign3A_11 = arith.cmpi slt, %jit3A, %sign3A_10 : i32
    %sign3A_12 = arith.extui %sign3A_11 : i1 to i32
    %sign3A_13 = arith.subi %sign3A_9, %sign3A_12 : i32
    %ne3A = arith.cmpi ne, %sign3A_6, %sign3A_13 : i32
    %rem3A = arith.remsi %add3A, %jit3A : i32
    %ne3A_14 = arith.constant 0 : i32
    %ne3A_15 = arith.cmpi ne, %rem3A, %ne3A_14 : i32
    %and3A = arith.andi %ne3A, %ne3A_15 : i1
    %sub3A = arith.constant 1 : i32
    %sub3A_16 = arith.subi %div3A, %sub3A : i32
    %select_n3A = arith.select %and3A, %sub3A_16, %div3A : i32
    %jit3A_17 = arith.constant 8 : i32
    %eq3A = arith.constant 0 : i32
    %eq3A_18 = arith.cmpi eq, %jit3A_17, %eq3A : i32
    %jit3A_19 = arith.constant 1 : i32
    %select_n3A_20 = arith.select %eq3A_18, %jit3A_19, %jit3A_17 : i32
    %rem3A_21 = arith.remsi %add3A, %select_n3A_20 : i32
    %ne3A_22 = arith.constant 0 : i32
    %ne3A_23 = arith.cmpi ne, %rem3A_21, %ne3A_22 : i32
    %lt3A = arith.constant 0 : i32
    %lt3A_24 = arith.cmpi slt, %rem3A_21, %lt3A : i32
    %lt3A_25 = arith.constant 0 : i32
    %lt3A_26 = arith.cmpi slt, %select_n3A_20, %lt3A_25 : i32
    %ne3A_27 = arith.xori %lt3A_24, %lt3A_26 : i1
    %and3A_28 = arith.andi %ne3A_27, %ne3A_23 : i1
    %add3A_29 = arith.addi %rem3A_21, %select_n3A_20 : i32
    %select_n3A_30 = arith.select %and3A_28, %add3A_29, %rem3A_21 : i32
    %mul3A_31 = arith.constant 16 : i32
    %mul3A_32 = arith.muli %select_n3A_30, %mul3A_31 : i32
    %multiple_of3A = tpu.assume_multiple %mul3A_32, 16 : i32
    %eq3A_33 = arith.constant 0 : i32
    %eq3A_34 = arith.cmpi eq, %select_n3A, %eq3A_33 : i32
    %convert_element_type3A = arith.extui %eq3A_34 : i1 to i32
    %cond3A = arith.constant 0 : i32
    %cond3A_35 = arith.cmpi ne, %convert_element_type3A, %cond3A : i32
    scf.if %cond3A_35 {
      "tpu.region"() ({
        %run_scoped3A = tpu.sem_alloc : memref<!tpu.dma_semaphore, #tpu.memory_space<semaphore_mem>>
        %dma_start3A_50 = tpu.memref_slice %arg5[%multiple_of3A] : memref<128xi32, #tpu.memory_space<hbm>> -> memref<16xi32, #tpu.memory_space<hbm>>
        %dma_start3A_51 = tpu.memref_slice %arg5[%multiple_of3A] : memref<128xi32, #tpu.memory_space<hbm>> -> memref<16xi32, #tpu.memory_space<hbm>>
        tpu.enqueue_dma source(%dma_start3A_51 : memref<16xi32, #tpu.memory_space<hbm>>) target(%arg11 : memref<16xi32, #tpu.memory_space<vmem>>) target_semaphore(%run_scoped3A : memref<!tpu.dma_semaphore, #tpu.memory_space<semaphore_mem>>)
        %dma_wait3A_52 = tpu.memref_slice %arg5[%multiple_of3A] : memref<128xi32, #tpu.memory_space<hbm>> -> memref<16xi32, #tpu.memory_space<hbm>>
        %dma_wait3A_53 = tpu.memref_slice %arg5[%multiple_of3A] : memref<128xi32, #tpu.memory_space<hbm>> -> memref<16xi32, #tpu.memory_space<hbm>>
        tpu.wait_dma2 semaphore(%run_scoped3A : memref<!tpu.dma_semaphore, #tpu.memory_space<semaphore_mem>>) src(%dma_wait3A_53 : memref<16xi32, #tpu.memory_space<hbm>>) dst(%arg11 : memref<16xi32, #tpu.memory_space<vmem>>)
        tpu.yield
      }) : () -> ()
      %dma_start3A = arith.constant 0 : i32
      %dma_start3A_46 = arith.constant 0 : i32
      %dma_start3A_47 = tpu.memref_slice %arg2[%dma_start3A, %dma_start3A_46] : memref<1000x128xf32, #tpu.memory_space<hbm>> -> memref<1000x128xf32, #tpu.memory_space<hbm>>
      tpu.enqueue_indirect_dma source(%dma_start3A_47 : memref<1000x128xf32, #tpu.memory_space<hbm>>) target(%arg13 : memref<16x128xf32, #tpu.memory_space<vmem>>) offsets(%arg11 : memref<16xi32, #tpu.memory_space<vmem>>) semaphore(%arg14 : memref<!tpu.dma_semaphore, #tpu.memory_space<semaphore_mem>>)
      %dma_wait3A = arith.constant 0 : i32
      %dma_wait3A_48 = arith.constant 0 : i32
      %dma_wait3A_49 = tpu.memref_slice %arg2[%dma_wait3A, %dma_wait3A_48] : memref<1000x128xf32, #tpu.memory_space<hbm>> -> memref<1000x128xf32, #tpu.memory_space<hbm>>
      tpu.wait_indirect_dma semaphore(%arg14 : memref<!tpu.dma_semaphore, #tpu.memory_space<semaphore_mem>>) src(%dma_wait3A_49 : memref<1000x128xf32, #tpu.memory_space<hbm>>) dst(%arg13 : memref<16x128xf32, #tpu.memory_space<vmem>>)
      "tpu.region"() ({
        %run_scoped3A = tpu.sem_alloc : memref<!tpu.dma_semaphore, #tpu.memory_space<semaphore_mem>>
        %dma_start3A_50 = arith.constant 0 : i32
        %dma_start3A_51 = tpu.memref_slice %arg8[%multiple_of3A, %dma_start3A_50] : memref<128x128xf32, #tpu.memory_space<hbm>> -> memref<16x128xf32, #tpu.memory_space<hbm>>
        %dma_start3A_52 = arith.constant 0 : i32
        %dma_start3A_53 = tpu.memref_slice %arg8[%multiple_of3A, %dma_start3A_52] : memref<128x128xf32, #tpu.memory_space<hbm>> -> memref<16x128xf32, #tpu.memory_space<hbm>>
        tpu.enqueue_dma source(%arg13 : memref<16x128xf32, #tpu.memory_space<vmem>>) target(%dma_start3A_53 : memref<16x128xf32, #tpu.memory_space<hbm>>) target_semaphore(%run_scoped3A : memref<!tpu.dma_semaphore, #tpu.memory_space<semaphore_mem>>)
        %dma_wait3A_54 = arith.constant 0 : i32
        %dma_wait3A_55 = tpu.memref_slice %arg8[%multiple_of3A, %dma_wait3A_54] : memref<128x128xf32, #tpu.memory_space<hbm>> -> memref<16x128xf32, #tpu.memory_space<hbm>>
        %dma_wait3A_56 = arith.constant 0 : i32
        %dma_wait3A_57 = tpu.memref_slice %arg8[%multiple_of3A, %dma_wait3A_56] : memref<128x128xf32, #tpu.memory_space<hbm>> -> memref<16x128xf32, #tpu.memory_space<hbm>>
        tpu.wait_dma2 semaphore(%run_scoped3A : memref<!tpu.dma_semaphore, #tpu.memory_space<semaphore_mem>>) src(%arg13 : memref<16x128xf32, #tpu.memory_space<vmem>>) dst(%dma_wait3A_57 : memref<16x128xf32, #tpu.memory_space<hbm>>)
        tpu.yield
      }) : () -> ()
    } else {
    }
    %eq3A_36 = arith.constant 1 : i32
    %eq3A_37 = arith.cmpi eq, %select_n3A, %eq3A_36 : i32
    %convert_element_type3A_38 = arith.extui %eq3A_37 : i1 to i32
    %cond3A_39 = arith.constant 0 : i32
    %cond3A_40 = arith.cmpi ne, %convert_element_type3A_38, %cond3A_39 : i32
    scf.if %cond3A_40 {
      "tpu.region"() ({
        %run_scoped3A = tpu.sem_alloc : memref<!tpu.dma_semaphore, #tpu.memory_space<semaphore_mem>>
        %dma_start3A_50 = tpu.memref_slice %arg6[%multiple_of3A] : memref<128xi32, #tpu.memory_space<hbm>> -> memref<16xi32, #tpu.memory_space<hbm>>
        %dma_start3A_51 = tpu.memref_slice %arg6[%multiple_of3A] : memref<128xi32, #tpu.memory_space<hbm>> -> memref<16xi32, #tpu.memory_space<hbm>>
        tpu.enqueue_dma source(%dma_start3A_51 : memref<16xi32, #tpu.memory_space<hbm>>) target(%arg11 : memref<16xi32, #tpu.memory_space<vmem>>) target_semaphore(%run_scoped3A : memref<!tpu.dma_semaphore, #tpu.memory_space<semaphore_mem>>)
        %dma_wait3A_52 = tpu.memref_slice %arg6[%multiple_of3A] : memref<128xi32, #tpu.memory_space<hbm>> -> memref<16xi32, #tpu.memory_space<hbm>>
        %dma_wait3A_53 = tpu.memref_slice %arg6[%multiple_of3A] : memref<128xi32, #tpu.memory_space<hbm>> -> memref<16xi32, #tpu.memory_space<hbm>>
        tpu.wait_dma2 semaphore(%run_scoped3A : memref<!tpu.dma_semaphore, #tpu.memory_space<semaphore_mem>>) src(%dma_wait3A_53 : memref<16xi32, #tpu.memory_space<hbm>>) dst(%arg11 : memref<16xi32, #tpu.memory_space<vmem>>)
        tpu.yield
      }) : () -> ()
      %dma_start3A = arith.constant 0 : i32
      %dma_start3A_46 = arith.constant 0 : i32
      %dma_start3A_47 = tpu.memref_slice %arg3[%dma_start3A, %dma_start3A_46] : memref<2x128xf32, #tpu.memory_space<hbm>> -> memref<2x128xf32, #tpu.memory_space<hbm>>
      tpu.enqueue_indirect_dma source(%dma_start3A_47 : memref<2x128xf32, #tpu.memory_space<hbm>>) target(%arg13 : memref<16x128xf32, #tpu.memory_space<vmem>>) offsets(%arg11 : memref<16xi32, #tpu.memory_space<vmem>>) semaphore(%arg14 : memref<!tpu.dma_semaphore, #tpu.memory_space<semaphore_mem>>)
      %dma_wait3A = arith.constant 0 : i32
      %dma_wait3A_48 = arith.constant 0 : i32
      %dma_wait3A_49 = tpu.memref_slice %arg3[%dma_wait3A, %dma_wait3A_48] : memref<2x128xf32, #tpu.memory_space<hbm>> -> memref<2x128xf32, #tpu.memory_space<hbm>>
      tpu.wait_indirect_dma semaphore(%arg14 : memref<!tpu.dma_semaphore, #tpu.memory_space<semaphore_mem>>) src(%dma_wait3A_49 : memref<2x128xf32, #tpu.memory_space<hbm>>) dst(%arg13 : memref<16x128xf32, #tpu.memory_space<vmem>>)
      "tpu.region"() ({
        %run_scoped3A = tpu.sem_alloc : memref<!tpu.dma_semaphore, #tpu.memory_space<semaphore_mem>>
        %dma_start3A_50 = arith.constant 0 : i32
        %dma_start3A_51 = tpu.memref_slice %arg9[%multiple_of3A, %dma_start3A_50] : memref<128x128xf32, #tpu.memory_space<hbm>> -> memref<16x128xf32, #tpu.memory_space<hbm>>
        %dma_start3A_52 = arith.constant 0 : i32
        %dma_start3A_53 = tpu.memref_slice %arg9[%multiple_of3A, %dma_start3A_52] : memref<128x128xf32, #tpu.memory_space<hbm>> -> memref<16x128xf32, #tpu.memory_space<hbm>>
        tpu.enqueue_dma source(%arg13 : memref<16x128xf32, #tpu.memory_space<vmem>>) target(%dma_start3A_53 : memref<16x128xf32, #tpu.memory_space<hbm>>) target_semaphore(%run_scoped3A : memref<!tpu.dma_semaphore, #tpu.memory_space<semaphore_mem>>)
        %dma_wait3A_54 = arith.constant 0 : i32
        %dma_wait3A_55 = tpu.memref_slice %arg9[%multiple_of3A, %dma_wait3A_54] : memref<128x128xf32, #tpu.memory_space<hbm>> -> memref<16x128xf32, #tpu.memory_space<hbm>>
        %dma_wait3A_56 = arith.constant 0 : i32
        %dma_wait3A_57 = tpu.memref_slice %arg9[%multiple_of3A, %dma_wait3A_56] : memref<128x128xf32, #tpu.memory_space<hbm>> -> memref<16x128xf32, #tpu.memory_space<hbm>>
        tpu.wait_dma2 semaphore(%run_scoped3A : memref<!tpu.dma_semaphore, #tpu.memory_space<semaphore_mem>>) src(%arg13 : memref<16x128xf32, #tpu.memory_space<vmem>>) dst(%dma_wait3A_57 : memref<16x128xf32, #tpu.memory_space<hbm>>)
        tpu.yield
      }) : () -> ()
    } else {
    }
    %eq3A_41 = arith.constant 2 : i32
    %eq3A_42 = arith.cmpi eq, %select_n3A, %eq3A_41 : i32
    %convert_element_type3A_43 = arith.extui %eq3A_42 : i1 to i32
    %cond3A_44 = arith.constant 0 : i32
    %cond3A_45 = arith.cmpi ne, %convert_element_type3A_43, %cond3A_44 : i32
    scf.if %cond3A_45 {
      "tpu.region"() ({
        %run_scoped3A = tpu.sem_alloc : memref<!tpu.dma_semaphore, #tpu.memory_space<semaphore_mem>>
        %dma_start3A_90 = tpu.memref_slice %arg7[%multiple_of3A] : memref<128xi32, #tpu.memory_space<hbm>> -> memref<16xi32, #tpu.memory_space<hbm>>
        %dma_start3A_91 = tpu.memref_slice %arg7[%multiple_of3A] : memref<128xi32, #tpu.memory_space<hbm>> -> memref<16xi32, #tpu.memory_space<hbm>>
        tpu.enqueue_dma source(%dma_start3A_91 : memref<16xi32, #tpu.memory_space<hbm>>) target(%arg11 : memref<16xi32, #tpu.memory_space<vmem>>) target_semaphore(%run_scoped3A : memref<!tpu.dma_semaphore, #tpu.memory_space<semaphore_mem>>)
        %dma_wait3A_92 = tpu.memref_slice %arg7[%multiple_of3A] : memref<128xi32, #tpu.memory_space<hbm>> -> memref<16xi32, #tpu.memory_space<hbm>>
        %dma_wait3A_93 = tpu.memref_slice %arg7[%multiple_of3A] : memref<128xi32, #tpu.memory_space<hbm>> -> memref<16xi32, #tpu.memory_space<hbm>>
        tpu.wait_dma2 semaphore(%run_scoped3A : memref<!tpu.dma_semaphore, #tpu.memory_space<semaphore_mem>>) src(%dma_wait3A_93 : memref<16xi32, #tpu.memory_space<hbm>>) dst(%arg11 : memref<16xi32, #tpu.memory_space<vmem>>)
        tpu.yield
      }) : () -> ()
      %get3A = arith.constant 0 : index
      %get3A_46 = tpu.vector_load %arg11[%get3A] {strides = array<i32>} : memref<16xi32, #tpu.memory_space<vmem>>, vector<16xi32>,
      %get3A_47 = vector.shape_cast %get3A_46 : vector<16xi32> to vector<16xi32>
      %iota3A = tpu.iota {dimensions = array<i32: 0>} : vector<16xi32>
      %shift_right_logical3A = arith.constant 3 : i32
      %shift_right_logical3A_48 = vector.broadcast %shift_right_logical3A : i32 to vector<16xi32>
      %shift_right_logical3A_49 = arith.shrui %iota3A, %shift_right_logical3A_48 : vector<16xi32>
      %jit3A_50 = arith.constant 8 : i32
      %div3A_51 = arith.divsi %multiple_of3A, %jit3A_50 : i32
      %sign3A_52 = arith.constant 0 : i32
      %sign3A_53 = arith.cmpi sgt, %multiple_of3A, %sign3A_52 : i32
      %sign3A_54 = arith.extui %sign3A_53 : i1 to i32
      %sign3A_55 = arith.constant 0 : i32
      %sign3A_56 = arith.cmpi slt, %multiple_of3A, %sign3A_55 : i32
      %sign3A_57 = arith.extui %sign3A_56 : i1 to i32
      %sign3A_58 = arith.subi %sign3A_54, %sign3A_57 : i32
      %sign3A_59 = arith.constant 0 : i32
      %sign3A_60 = arith.cmpi sgt, %jit3A_50, %sign3A_59 : i32
      %sign3A_61 = arith.extui %sign3A_60 : i1 to i32
      %sign3A_62 = arith.constant 0 : i32
      %sign3A_63 = arith.cmpi slt, %jit3A_50, %sign3A_62 : i32
      %sign3A_64 = arith.extui %sign3A_63 : i1 to i32
      %sign3A_65 = arith.subi %sign3A_61, %sign3A_64 : i32
      %ne3A_66 = arith.cmpi ne, %sign3A_58, %sign3A_65 : i32
      %rem3A_67 = arith.remsi %multiple_of3A, %jit3A_50 : i32
      %ne3A_68 = arith.constant 0 : i32
      %ne3A_69 = arith.cmpi ne, %rem3A_67, %ne3A_68 : i32
      %and3A_70 = arith.andi %ne3A_66, %ne3A_69 : i1
      %sub3A_71 = arith.constant 1 : i32
      %sub3A_72 = arith.subi %div3A_51, %sub3A_71 : i32
      %select_n3A_73 = arith.select %and3A_70, %sub3A_72, %div3A_51 : i32
      %add3A_74 = vector.broadcast %select_n3A_73 : i32 to vector<16xi32>
      %add3A_75 = arith.addi %add3A_74, %shift_right_logical3A_49 : vector<16xi32>
      %mul3A_76 = arith.constant 65536 : i32
      %mul3A_77 = vector.broadcast %mul3A_76 : i32 to vector<16xi32>
      %mul3A_78 = arith.muli %add3A_75, %mul3A_77 : vector<16xi32>
      %add3A_79 = arith.addi %get3A_47, %mul3A_78 : vector<16xi32>
      %shift_right_logical3A_80 = arith.constant 2 : i32
      %shift_right_logical3A_81 = vector.broadcast %shift_right_logical3A_80 : i32 to vector<16xi32>
      %shift_right_logical3A_82 = arith.shrui %add3A_79, %shift_right_logical3A_81 : vector<16xi32>
      %swap3A = arith.constant 0 : index
      %swap3A_83 = tpu.vector_load %arg12[%swap3A] {strides = array<i32>} : memref<16xi32, #tpu.memory_space<vmem>>, vector<16xi32>,
      %swap3A_84 = vector.shape_cast %swap3A_83 : vector<16xi32> to vector<16xi32>
      %swap3A_85 = vector.shape_cast %shift_right_logical3A_82 : vector<16xi32> to vector<16xi32>
      tpu.vector_store %arg12[%swap3A], %swap3A_85 {strides = array<i32>} : memref<16xi32, #tpu.memory_space<vmem>>, vector<16xi32>,
      %dma_start3A = arith.constant 0 : i32
      %dma_start3A_86 = arith.constant 0 : i32
      %dma_start3A_87 = tpu.memref_slice %arg4[%dma_start3A, %dma_start3A_86] : memref<262144x128xf32, #tpu.memory_space<hbm>> -> memref<262144x128xf32, #tpu.memory_space<hbm>>
      tpu.enqueue_indirect_dma source(%dma_start3A_87 : memref<262144x128xf32, #tpu.memory_space<hbm>>) target(%arg13 : memref<16x128xf32, #tpu.memory_space<vmem>>) offsets(%arg12 : memref<16xi32, #tpu.memory_space<vmem>>) semaphore(%arg14 : memref<!tpu.dma_semaphore, #tpu.memory_space<semaphore_mem>>)
      %dma_wait3A = arith.constant 0 : i32
      %dma_wait3A_88 = arith.constant 0 : i32
      %dma_wait3A_89 = tpu.memref_slice %arg4[%dma_wait3A, %dma_wait3A_88] : memref<262144x128xf32, #tpu.memory_space<hbm>> -> memref<262144x128xf32, #tpu.memory_space<hbm>>
      tpu.wait_indirect_dma semaphore(%arg14 : memref<!tpu.dma_semaphore, #tpu.memory_space<semaphore_mem>>) src(%dma_wait3A_89 : memref<262144x128xf32, #tpu.memory_space<hbm>>) dst(%arg13 : memref<16x128xf32, #tpu.memory_space<vmem>>)
      "tpu.region"() ({
        %run_scoped3A = tpu.sem_alloc : memref<!tpu.dma_semaphore, #tpu.memory_space<semaphore_mem>>
        %dma_start3A_90 = arith.constant 0 : i32
        %dma_start3A_91 = tpu.memref_slice %arg10[%multiple_of3A, %dma_start3A_90] : memref<128x128xf32, #tpu.memory_space<hbm>> -> memref<16x128xf32, #tpu.memory_space<hbm>>
        %dma_start3A_92 = arith.constant 0 : i32
        %dma_start3A_93 = tpu.memref_slice %arg10[%multiple_of3A, %dma_start3A_92] : memref<128x128xf32, #tpu.memory_space<hbm>> -> memref<16x128xf32, #tpu.memory_space<hbm>>
        tpu.enqueue_dma source(%arg13 : memref<16x128xf32, #tpu.memory_space<vmem>>) target(%dma_start3A_93 : memref<16x128xf32, #tpu.memory_space<hbm>>) target_semaphore(%run_scoped3A : memref<!tpu.dma_semaphore, #tpu.memory_space<semaphore_mem>>)
        %dma_wait3A_94 = arith.constant 0 : i32
        %dma_wait3A_95 = tpu.memref_slice %arg10[%multiple_of3A, %dma_wait3A_94] : memref<128x128xf32, #tpu.memory_space<hbm>> -> memref<16x128xf32, #tpu.memory_space<hbm>>
        %dma_wait3A_96 = arith.constant 0 : i32
        %dma_wait3A_97 = tpu.memref_slice %arg10[%multiple_of3A, %dma_wait3A_96] : memref<128x128xf32, #tpu.memory_space<hbm>> -> memref<16x128xf32, #tpu.memory_space<hbm>>
        tpu.wait_dma2 semaphore(%run_scoped3A : memref<!tpu.dma_semaphore, #tpu.memory_space<semaphore_mem>>) src(%arg13 : memref<16x128xf32, #tpu.memory_space<vmem>>) dst(%dma_wait3A_97 : memref<16x128xf32, #tpu.memory_space<hbm>>)
        tpu.yield
      }) : () -> ()
    } else {
    }
    return
  }
}

module attributes {stable_mosaic.version = 14 : i64} {
  func.func @_stream_body(%arg0: i32, %arg1: i32, %arg2: memref<8192x128xf32, #tpu.memory_space<vmem>>, %arg3: memref<1x2x8x256xf32, #tpu.memory_space<vmem>>, %arg4: memref<256x256xf32, #tpu.memory_space<vmem>>, %arg5: memref<1x256xf32, #tpu.memory_space<vmem>>, %arg6: memref<256x32xf32, #tpu.memory_space<vmem>>, %arg7: memref<256x32xf32, #tpu.memory_space<vmem>>, %arg8: memref<1x2x8x256xf32, #tpu.memory_space<vmem>>, %arg9: memref<1x8x128xf32, #tpu.memory_space<vmem>>, %arg10: memref<1x8x128xf32, #tpu.memory_space<vmem>>, %arg11: memref<1x8x128xf32, #tpu.memory_space<vmem>>, %arg12: memref<1x8x1xf32, #tpu.memory_space<vmem>>, %arg13: memref<1x8x128xf32, #tpu.memory_space<vmem>>, %arg14: memref<1x1x8xi32, #tpu.memory_space<vmem>>, %arg15: memref<1x8x1xi32, #tpu.memory_space<vmem>>, %arg16: memref<256x32xf32, #tpu.memory_space<vmem>>, %arg17: memref<128x32xf32, #tpu.memory_space<vmem>>, %arg18: memref<256x256xf32, #tpu.memory_space<vmem>>, %arg19: memref<32x256xf32, #tpu.memory_space<vmem>>, %arg20: memref<32x256xf32, #tpu.memory_space<vmem>>, %arg21: memref<1x8x256xf32, #tpu.memory_space<vmem>>, %arg22: memref<128x64xf32, #tpu.memory_space<vmem>>, %arg23: memref<64x128xf32, #tpu.memory_space<vmem>>, %arg24: memref<64x128xf32, #tpu.memory_space<vmem>>, %arg25: memref<1x64xf32, #tpu.memory_space<vmem>>, %arg26: memref<8x256xf32, #tpu.memory_space<vmem>>, %arg27: memref<16x32xf32, #tpu.memory_space<vmem>>) attributes {dimension_semantics = [#tpu.dimension_semantics<parallel>, #tpu.dimension_semantics<arbitrary>], iteration_bounds = array<i64: 16, 2>, scalar_prefetch = 0 : i64, scratch_operands = 6 : i64, tpu.core_type = #tpu.core_type<tc>, window_params = [{transform_indices = @transform_0, window_bounds = array<i64: 8192, 128>}, {transform_indices = @transform_1, window_bounds = array<i64: 1, 2, 8, 256>}, {pipeline_mode = #tpu.pipeline_mode<synchronous>, transform_indices = @transform_2, window_bounds = array<i64: 256, 256>}, {pipeline_mode = #tpu.pipeline_mode<synchronous>, transform_indices = @transform_3, window_bounds = array<i64: 1, 256>}, {pipeline_mode = #tpu.pipeline_mode<synchronous>, transform_indices = @transform_4, window_bounds = array<i64: 256, 32>}, {pipeline_mode = #tpu.pipeline_mode<synchronous>, transform_indices = @transform_5, window_bounds = array<i64: 256, 32>}, {transform_indices = @transform_6, window_bounds = array<i64: 1, 2, 8, 256>}, {transform_indices = @transform_7, window_bounds = array<i64: 1, 8, 128>}, {transform_indices = @transform_8, window_bounds = array<i64: 1, 8, 128>}, {transform_indices = @transform_9, window_bounds = array<i64: 1, 8, 128>}, {transform_indices = @transform_10, window_bounds = array<i64: 1, 8, 1>}, {transform_indices = @transform_11, window_bounds = array<i64: 1, 8, 128>}, {transform_indices = @transform_12, window_bounds = array<i64: 1, 1, 8>}, {transform_indices = @transform_13, window_bounds = array<i64: 1, 8, 1>}, {pipeline_mode = #tpu.pipeline_mode<synchronous>, transform_indices = @transform_14, window_bounds = array<i64: 256, 32>}, {pipeline_mode = #tpu.pipeline_mode<synchronous>, transform_indices = @transform_15, window_bounds = array<i64: 128, 32>}, {pipeline_mode = #tpu.pipeline_mode<synchronous>, transform_indices = @transform_16, window_bounds = array<i64: 256, 256>}, {pipeline_mode = #tpu.pipeline_mode<synchronous>, transform_indices = @transform_17, window_bounds = array<i64: 32, 256>}, {pipeline_mode = #tpu.pipeline_mode<synchronous>, transform_indices = @transform_18, window_bounds = array<i64: 32, 256>}, {transform_indices = @transform_19, window_bounds = array<i64: 1, 8, 256>}]} {
    %eq3A = arith.constant 0 : i32
    %eq3A_0 = arith.cmpi eq, %arg1, %eq3A : i32
    %convert_element_type3A = arith.extui %eq3A_0 : i1 to i32
    %cond3A = arith.constant 0 : i32
    %cond3A_1 = arith.cmpi ne, %convert_element_type3A, %cond3A : i32
    scf.if %cond3A_1 {
      %get3A_52 = arith.constant 0 : index
      %get3A_53 = arith.constant 0 : index
      %get3A_54 = arith.constant 0 : index
      %get3A_55 = arith.constant 0 : index
      %get3A_56 = vector.load %arg3[%get3A_52, %get3A_53, %get3A_54, %get3A_55] : memref<1x2x8x256xf32, #tpu.memory_space<vmem>>, vector<1x1x8x256xf32>
      %get3A_57 = vector.shape_cast %get3A_56 : vector<1x1x8x256xf32> to vector<8x256xf32>
      %get3A_58 = arith.constant 0 : index
      %get3A_59 = arith.constant 1 : index
      %get3A_60 = arith.constant 0 : index
      %get3A_61 = arith.constant 0 : index
      %get3A_62 = vector.load %arg3[%get3A_58, %get3A_59, %get3A_60, %get3A_61] : memref<1x2x8x256xf32, #tpu.memory_space<vmem>>, vector<1x1x8x256xf32>
      %get3A_63 = vector.shape_cast %get3A_62 : vector<1x1x8x256xf32> to vector<8x256xf32>
      %get3A_64 = arith.constant 0 : index
      %get3A_65 = arith.constant 0 : index
      %get3A_66 = vector.load %arg4[%get3A_64, %get3A_65] : memref<256x256xf32, #tpu.memory_space<vmem>>, vector<256x256xf32>
      %dot_general3A_67 = arith.constant dense<0.000000e+00> : vector<8x256xf32>
      %dot_general3A_68 = tpu.matmul %get3A_57, %get3A_66, %dot_general3A_67 {dimension_numbers = #tpu.dot_dimension_numbers<[1], [0], [0], [1], [0, 0, 1, 1], [], []>, transpose_lhs_hint = false} : vector<8x256xf32>, vector<256x256xf32>, vector<8x256xf32> -> vector<8x256xf32>
      %get3A_69 = arith.constant 0 : index
      %get3A_70 = arith.constant 0 : index
      %get3A_71 = vector.load %arg5[%get3A_69, %get3A_70] : memref<1x256xf32, #tpu.memory_space<vmem>>, vector<1x256xf32>
      %add3A_72 = vector.broadcast %get3A_71 : vector<1x256xf32> to vector<8x256xf32>
      %add3A_73 = arith.addf %dot_general3A_68, %add3A_72 : vector<8x256xf32>
      %integer_pow3A = arith.mulf %add3A_73, %add3A_73 : vector<8x256xf32>
      %integer_pow3A_74 = arith.mulf %add3A_73, %integer_pow3A : vector<8x256xf32>
      %mul3A_75 = arith.constant 4.471500e-02 : f32
      %mul3A_76 = vector.broadcast %mul3A_75 : f32 to vector<8x256xf32>
      %mul3A_77 = arith.mulf %mul3A_76, %integer_pow3A_74 : vector<8x256xf32>
      %add3A_78 = arith.addf %add3A_73, %mul3A_77 : vector<8x256xf32>
      %mul3A_79 = arith.constant 0.797884583 : f32
      %mul3A_80 = vector.broadcast %mul3A_79 : f32 to vector<8x256xf32>
      %mul3A_81 = arith.mulf %mul3A_80, %add3A_78 : vector<8x256xf32>
      %tanh3A = math.tanh %mul3A_81 : vector<8x256xf32>
      %add3A_82 = arith.constant 1.000000e+00 : f32
      %add3A_83 = vector.broadcast %add3A_82 : f32 to vector<8x256xf32>
      %add3A_84 = arith.addf %add3A_83, %tanh3A : vector<8x256xf32>
      %mul3A_85 = arith.constant 5.000000e-01 : f32
      %mul3A_86 = vector.broadcast %mul3A_85 : f32 to vector<8x256xf32>
      %mul3A_87 = arith.mulf %mul3A_86, %add3A_84 : vector<8x256xf32>
      %mul3A_88 = arith.mulf %add3A_73, %mul3A_87 : vector<8x256xf32>
      %add3A_89 = arith.addf %get3A_63, %mul3A_88 : vector<8x256xf32>
      %swap3A_90 = arith.constant 0 : index
      %swap3A_91 = arith.constant 0 : index
      %swap3A_92 = vector.load %arg26[%swap3A_90, %swap3A_91] : memref<8x256xf32, #tpu.memory_space<vmem>>, vector<8x256xf32>
      tpu.vector_store %arg26[%swap3A_90, %swap3A_91], %add3A_89 {strides = array<i32>} : memref<8x256xf32, #tpu.memory_space<vmem>>, vector<8x256xf32>,
      %get3A_93 = arith.constant 0 : index
      %get3A_94 = arith.constant 0 : index
      %get3A_95 = vector.load %arg6[%get3A_93, %get3A_94] : memref<256x32xf32, #tpu.memory_space<vmem>>, vector<256x32xf32>
      %dot_general3A_96 = arith.constant dense<0.000000e+00> : vector<8x32xf32>
      %dot_general3A_97 = tpu.matmul %add3A_89, %get3A_95, %dot_general3A_96 {dimension_numbers = #tpu.dot_dimension_numbers<[1], [0], [0], [1], [0, 0, 1, 1], [], []>, transpose_lhs_hint = false} : vector<8x256xf32>, vector<256x32xf32>, vector<8x32xf32> -> vector<8x32xf32>
      %get3A_98 = arith.constant 0 : index
      %get3A_99 = arith.constant 0 : index
      %get3A_100 = vector.load %arg7[%get3A_98, %get3A_99] : memref<256x32xf32, #tpu.memory_space<vmem>>, vector<256x32xf32>
      %dot_general3A_101 = arith.constant dense<0.000000e+00> : vector<8x32xf32>
      %dot_general3A_102 = tpu.matmul %add3A_89, %get3A_100, %dot_general3A_101 {dimension_numbers = #tpu.dot_dimension_numbers<[1], [0], [0], [1], [0, 0, 1, 1], [], []>, transpose_lhs_hint = false} : vector<8x256xf32>, vector<256x32xf32>, vector<8x32xf32> -> vector<8x32xf32>
      %concatenate3A = tpu.concatenate %dot_general3A_97, %dot_general3A_102 in 0 : vector<8x32xf32>, vector<8x32xf32> -> vector<16x32xf32>
      %swap3A_103 = arith.constant 0 : index
      %swap3A_104 = arith.constant 0 : index
      %swap3A_105 = vector.load %arg27[%swap3A_103, %swap3A_104] : memref<16x32xf32, #tpu.memory_space<vmem>>, vector<16x32xf32>
      tpu.vector_store %arg27[%swap3A_103, %swap3A_104], %concatenate3A {strides = array<i32>} : memref<16x32xf32, #tpu.memory_space<vmem>>, vector<16x32xf32>,
      %transpose3A = tpu.transpose %concatenate3A, [1, 0] : vector<16x32xf32> -> vector<32x16xf32>
      %concatenate3A_106 = tpu.concatenate %transpose3A, %transpose3A, %transpose3A, %transpose3A in 0 : vector<32x16xf32>, vector<32x16xf32>, vector<32x16xf32>, vector<32x16xf32> -> vector<128x16xf32>
      %concatenate3A_107 = tpu.concatenate %concatenate3A_106, %concatenate3A_106, %concatenate3A_106, %concatenate3A_106 in 1 : vector<128x16xf32>, vector<128x16xf32>, vector<128x16xf32>, vector<128x16xf32> -> vector<128x64xf32>
      %iota3A = tpu.iota {dimensions = array<i32: 0>} : vector<128x64xi32>
      %jit3A = arith.constant 32 : i32
      %div3A = vector.broadcast %jit3A : i32 to vector<128x64xi32>
      %div3A_108 = arith.divsi %iota3A, %div3A : vector<128x64xi32>
      %sign3A = arith.constant 0 : i32
      %sign3A_109 = vector.broadcast %sign3A : i32 to vector<128x64xi32>
      %sign3A_110 = arith.cmpi sgt, %iota3A, %sign3A_109 : vector<128x64xi32>
      %sign3A_111 = arith.extui %sign3A_110 : vector<128x64xi1> to vector<128x64xi32>
      %sign3A_112 = arith.constant 0 : i32
      %sign3A_113 = vector.broadcast %sign3A_112 : i32 to vector<128x64xi32>
      %sign3A_114 = arith.cmpi slt, %iota3A, %sign3A_113 : vector<128x64xi32>
      %sign3A_115 = arith.extui %sign3A_114 : vector<128x64xi1> to vector<128x64xi32>
      %sign3A_116 = arith.subi %sign3A_111, %sign3A_115 : vector<128x64xi32>
      %sign3A_117 = arith.constant 0 : i32
      %sign3A_118 = arith.cmpi sgt, %jit3A, %sign3A_117 : i32
      %sign3A_119 = arith.extui %sign3A_118 : i1 to i32
      %sign3A_120 = arith.constant 0 : i32
      %sign3A_121 = arith.cmpi slt, %jit3A, %sign3A_120 : i32
      %sign3A_122 = arith.extui %sign3A_121 : i1 to i32
      %sign3A_123 = arith.subi %sign3A_119, %sign3A_122 : i32
      %ne3A = vector.broadcast %sign3A_123 : i32 to vector<128x64xi32>
      %ne3A_124 = arith.cmpi ne, %sign3A_116, %ne3A : vector<128x64xi32>
      %rem3A = vector.broadcast %jit3A : i32 to vector<128x64xi32>
      %rem3A_125 = arith.remsi %iota3A, %rem3A : vector<128x64xi32>
      %ne3A_126 = arith.constant 0 : i32
      %ne3A_127 = vector.broadcast %ne3A_126 : i32 to vector<128x64xi32>
      %ne3A_128 = arith.cmpi ne, %rem3A_125, %ne3A_127 : vector<128x64xi32>
      %and3A = arith.andi %ne3A_124, %ne3A_128 : vector<128x64xi1>
      %sub3A = arith.constant 1 : i32
      %sub3A_129 = vector.broadcast %sub3A : i32 to vector<128x64xi32>
      %sub3A_130 = arith.subi %div3A_108, %sub3A_129 : vector<128x64xi32>
      %select_n3A = arith.select %and3A, %sub3A_130, %div3A_108 : vector<128x64xi1>, vector<128x64xi32>
      %iota3A_131 = tpu.iota {dimensions = array<i32: 1>} : vector<128x64xi32>
      %jit3A_132 = arith.constant 16 : i32
      %div3A_133 = vector.broadcast %jit3A_132 : i32 to vector<128x64xi32>
      %div3A_134 = arith.divsi %iota3A_131, %div3A_133 : vector<128x64xi32>
      %sign3A_135 = arith.constant 0 : i32
      %sign3A_136 = vector.broadcast %sign3A_135 : i32 to vector<128x64xi32>
      %sign3A_137 = arith.cmpi sgt, %iota3A_131, %sign3A_136 : vector<128x64xi32>
      %sign3A_138 = arith.extui %sign3A_137 : vector<128x64xi1> to vector<128x64xi32>
      %sign3A_139 = arith.constant 0 : i32
      %sign3A_140 = vector.broadcast %sign3A_139 : i32 to vector<128x64xi32>
      %sign3A_141 = arith.cmpi slt, %iota3A_131, %sign3A_140 : vector<128x64xi32>
      %sign3A_142 = arith.extui %sign3A_141 : vector<128x64xi1> to vector<128x64xi32>
      %sign3A_143 = arith.subi %sign3A_138, %sign3A_142 : vector<128x64xi32>
      %sign3A_144 = arith.constant 0 : i32
      %sign3A_145 = arith.cmpi sgt, %jit3A_132, %sign3A_144 : i32
      %sign3A_146 = arith.extui %sign3A_145 : i1 to i32
      %sign3A_147 = arith.constant 0 : i32
      %sign3A_148 = arith.cmpi slt, %jit3A_132, %sign3A_147 : i32
      %sign3A_149 = arith.extui %sign3A_148 : i1 to i32
      %sign3A_150 = arith.subi %sign3A_146, %sign3A_149 : i32
      %ne3A_151 = vector.broadcast %sign3A_150 : i32 to vector<128x64xi32>
      %ne3A_152 = arith.cmpi ne, %sign3A_143, %ne3A_151 : vector<128x64xi32>
      %rem3A_153 = vector.broadcast %jit3A_132 : i32 to vector<128x64xi32>
      %rem3A_154 = arith.remsi %iota3A_131, %rem3A_153 : vector<128x64xi32>
      %ne3A_155 = arith.constant 0 : i32
      %ne3A_156 = vector.broadcast %ne3A_155 : i32 to vector<128x64xi32>
      %ne3A_157 = arith.cmpi ne, %rem3A_154, %ne3A_156 : vector<128x64xi32>
      %and3A_158 = arith.andi %ne3A_152, %ne3A_157 : vector<128x64xi1>
      %sub3A_159 = arith.constant 1 : i32
      %sub3A_160 = vector.broadcast %sub3A_159 : i32 to vector<128x64xi32>
      %sub3A_161 = arith.subi %div3A_134, %sub3A_160 : vector<128x64xi32>
      %select_n3A_162 = arith.select %and3A_158, %sub3A_161, %div3A_134 : vector<128x64xi1>, vector<128x64xi32>
      %eq3A_163 = arith.cmpi eq, %select_n3A, %select_n3A_162 : vector<128x64xi32>
      %jit3A_164 = arith.constant 0.000000e+00 : f32
      %broadcast_in_dim3A_165 = vector.broadcast %jit3A_164 : f32 to vector<128x64xf32>
      %select_n3A_166 = arith.select %eq3A_163, %concatenate3A_107, %broadcast_in_dim3A_165 : vector<128x64xi1>, vector<128x64xf32>
      %swap3A_167 = arith.constant 0 : index
      %swap3A_168 = arith.constant 0 : index
      %swap3A_169 = vector.load %arg22[%swap3A_167, %swap3A_168] : memref<128x64xf32, #tpu.memory_space<vmem>>, vector<128x64xf32>
      tpu.vector_store %arg22[%swap3A_167, %swap3A_168], %select_n3A_166 {strides = array<i32>} : memref<128x64xf32, #tpu.memory_space<vmem>>, vector<128x64xf32>,
      %broadcast_in_dim3A_170 = arith.constant 0.000000e+00 : f32
      %broadcast_in_dim3A_171 = vector.broadcast %broadcast_in_dim3A_170 : f32 to vector<64x128xf32>
      %swap3A_172 = arith.constant 0 : index
      %swap3A_173 = arith.constant 0 : index
      %swap3A_174 = vector.load %arg23[%swap3A_172, %swap3A_173] : memref<64x128xf32, #tpu.memory_space<vmem>>, vector<64x128xf32>
      tpu.vector_store %arg23[%swap3A_172, %swap3A_173], %broadcast_in_dim3A_171 {strides = array<i32>} : memref<64x128xf32, #tpu.memory_space<vmem>>, vector<64x128xf32>,
      %broadcast_in_dim3A_175 = arith.constant 0.000000e+00 : f32
      %broadcast_in_dim3A_176 = vector.broadcast %broadcast_in_dim3A_175 : f32 to vector<64x128xf32>
      %swap3A_177 = arith.constant 0 : index
      %swap3A_178 = arith.constant 0 : index
      %swap3A_179 = vector.load %arg24[%swap3A_177, %swap3A_178] : memref<64x128xf32, #tpu.memory_space<vmem>>, vector<64x128xf32>
      tpu.vector_store %arg24[%swap3A_177, %swap3A_178], %broadcast_in_dim3A_176 {strides = array<i32>} : memref<64x128xf32, #tpu.memory_space<vmem>>, vector<64x128xf32>,
      %broadcast_in_dim3A_180 = arith.constant 0.000000e+00 : f32
      %broadcast_in_dim3A_181 = vector.broadcast %broadcast_in_dim3A_180 : f32 to vector<1x64xf32>
      %swap3A_182 = arith.constant 0 : index
      %swap3A_183 = arith.constant 0 : index
      %swap3A_184 = vector.load %arg25[%swap3A_182, %swap3A_183] : memref<1x64xf32, #tpu.memory_space<vmem>>, vector<1x64xf32>
      tpu.vector_store %arg25[%swap3A_182, %swap3A_183], %broadcast_in_dim3A_181 {strides = array<i32>} : memref<1x64xf32, #tpu.memory_space<vmem>>, vector<1x64xf32>,
    } else {
    }
    %get3A = arith.constant 0 : index
    %get3A_2 = arith.constant 0 : index
    %get3A_3 = vector.load %arg22[%get3A, %get3A_2] : memref<128x64xf32, #tpu.memory_space<vmem>>, vector<128x64xf32>
    %get3A_4 = arith.constant 0 : index
    %get3A_5 = arith.constant 0 : index
    %get3A_6 = vector.load %arg2[%get3A_4, %get3A_5] : memref<8192x128xf32, #tpu.memory_space<vmem>>, vector<4096x128xf32>
    %get3A_7 = arith.constant 4096 : index
    %get3A_8 = arith.constant 0 : index
    %get3A_9 = vector.load %arg2[%get3A_7, %get3A_8] : memref<8192x128xf32, #tpu.memory_space<vmem>>, vector<4096x128xf32>
    %dot_general3A = arith.constant dense<0.000000e+00> : vector<4096x64xf32>
    %dot_general3A_10 = tpu.matmul %get3A_6, %get3A_3, %dot_general3A {dimension_numbers = #tpu.dot_dimension_numbers<[1], [0], [0], [1], [0, 0, 1, 1], [], []>, transpose_lhs_hint = false} : vector<4096x128xf32>, vector<128x64xf32>, vector<4096x64xf32> -> vector<4096x64xf32>
    %dot_general3A_11 = arith.constant dense<0.000000e+00> : vector<4096x64xf32>
    %dot_general3A_12 = tpu.matmul %get3A_9, %get3A_3, %dot_general3A_11 {dimension_numbers = #tpu.dot_dimension_numbers<[1], [0], [0], [1], [0, 0, 1, 1], [], []>, transpose_lhs_hint = false} : vector<4096x128xf32>, vector<128x64xf32>, vector<4096x64xf32> -> vector<4096x64xf32>
    %mul3A = arith.constant 0.176776692 : f32
    %mul3A_13 = vector.broadcast %mul3A : f32 to vector<4096x64xf32>
    %mul3A_14 = arith.mulf %dot_general3A_10, %mul3A_13 : vector<4096x64xf32>
    %exp3A = math.exp %mul3A_14 : vector<4096x64xf32>
    %mul3A_15 = arith.constant 0.176776692 : f32
    %mul3A_16 = vector.broadcast %mul3A_15 : f32 to vector<4096x64xf32>
    %mul3A_17 = arith.mulf %dot_general3A_12, %mul3A_16 : vector<4096x64xf32>
    %exp3A_18 = math.exp %mul3A_17 : vector<4096x64xf32>
    %get3A_19 = arith.constant 0 : index
    %get3A_20 = arith.constant 0 : index
    %get3A_21 = vector.load %arg25[%get3A_19, %get3A_20] : memref<1x64xf32, #tpu.memory_space<vmem>>, vector<1x64xf32>
    %reduce_sum3A = arith.constant dense<0.000000e+00> : vector<64xf32>
    %reduce_sum3A_22 = vector.multi_reduction <add>, %exp3A, %reduce_sum3A [0] : vector<4096x64xf32> to vector<64xf32>
    %broadcast_in_dim3A = vector.shape_cast %reduce_sum3A_22 : vector<64xf32> to vector<1x64xf32>
    %reduce_sum3A_23 = arith.constant dense<0.000000e+00> : vector<64xf32>
    %reduce_sum3A_24 = vector.multi_reduction <add>, %exp3A_18, %reduce_sum3A_23 [0] : vector<4096x64xf32> to vector<64xf32>
    %broadcast_in_dim3A_25 = vector.shape_cast %reduce_sum3A_24 : vector<64xf32> to vector<1x64xf32>
    %add3A = arith.addf %broadcast_in_dim3A, %broadcast_in_dim3A_25 : vector<1x64xf32>
    %add3A_26 = arith.addf %get3A_21, %add3A : vector<1x64xf32>
    %swap3A = arith.constant 0 : index
    %swap3A_27 = arith.constant 0 : index
    %swap3A_28 = vector.load %arg25[%swap3A, %swap3A_27] : memref<1x64xf32, #tpu.memory_space<vmem>>, vector<1x64xf32>
    tpu.vector_store %arg25[%swap3A, %swap3A_27], %add3A_26 {strides = array<i32>} : memref<1x64xf32, #tpu.memory_space<vmem>>, vector<1x64xf32>,
    %get3A_29 = arith.constant 0 : index
    %get3A_30 = arith.constant 0 : index
    %get3A_31 = vector.load %arg23[%get3A_29, %get3A_30] : memref<64x128xf32, #tpu.memory_space<vmem>>, vector<64x128xf32>
    %dot_general3A_32 = arith.constant dense<0.000000e+00> : vector<64x128xf32>
    %dot_general3A_33 = tpu.matmul %exp3A, %get3A_6, %dot_general3A_32 {dimension_numbers = #tpu.dot_dimension_numbers<[0], [0], [1], [1], [0, 1, 1, 1], [], []>, transpose_lhs_hint = false} : vector<4096x64xf32>, vector<4096x128xf32>, vector<64x128xf32> -> vector<64x128xf32>
    %add3A_34 = arith.addf %get3A_31, %dot_general3A_33 : vector<64x128xf32>
    %swap3A_35 = arith.constant 0 : index
    %swap3A_36 = arith.constant 0 : index
    %swap3A_37 = vector.load %arg23[%swap3A_35, %swap3A_36] : memref<64x128xf32, #tpu.memory_space<vmem>>, vector<64x128xf32>
    tpu.vector_store %arg23[%swap3A_35, %swap3A_36], %add3A_34 {strides = array<i32>} : memref<64x128xf32, #tpu.memory_space<vmem>>, vector<64x128xf32>,
    %get3A_38 = arith.constant 0 : index
    %get3A_39 = arith.constant 0 : index
    %get3A_40 = vector.load %arg24[%get3A_38, %get3A_39] : memref<64x128xf32, #tpu.memory_space<vmem>>, vector<64x128xf32>
    %dot_general3A_41 = arith.constant dense<0.000000e+00> : vector<64x128xf32>
    %dot_general3A_42 = tpu.matmul %exp3A_18, %get3A_9, %dot_general3A_41 {dimension_numbers = #tpu.dot_dimension_numbers<[0], [0], [1], [1], [0, 1, 1, 1], [], []>, transpose_lhs_hint = false} : vector<4096x64xf32>, vector<4096x128xf32>, vector<64x128xf32> -> vector<64x128xf32>
    %add3A_43 = arith.addf %get3A_40, %dot_general3A_42 : vector<64x128xf32>
    %swap3A_44 = arith.constant 0 : index
    %swap3A_45 = arith.constant 0 : index
    %swap3A_46 = vector.load %arg24[%swap3A_44, %swap3A_45] : memref<64x128xf32, #tpu.memory_space<vmem>>, vector<64x128xf32>
    tpu.vector_store %arg24[%swap3A_44, %swap3A_45], %add3A_43 {strides = array<i32>} : memref<64x128xf32, #tpu.memory_space<vmem>>, vector<64x128xf32>,
    %eq3A_47 = arith.constant 1 : i32
    %eq3A_48 = arith.cmpi eq, %arg1, %eq3A_47 : i32
    %convert_element_type3A_49 = arith.extui %eq3A_48 : i1 to i32
    %cond3A_50 = arith.constant 0 : i32
    %cond3A_51 = arith.cmpi ne, %convert_element_type3A_49, %cond3A_50 : i32
    scf.if %cond3A_51 {
      %get3A_52 = arith.constant 0 : index
      %get3A_53 = arith.constant 0 : index
      %get3A_54 = arith.constant 0 : index
      %get3A_55 = arith.constant 0 : index
      %get3A_56 = vector.load %arg8[%get3A_52, %get3A_53, %get3A_54, %get3A_55] : memref<1x2x8x256xf32, #tpu.memory_space<vmem>>, vector<1x1x8x256xf32>
      %get3A_57 = vector.shape_cast %get3A_56 : vector<1x1x8x256xf32> to vector<8x256xf32>
      %get3A_58 = arith.constant 0 : index
      %get3A_59 = arith.constant 1 : index
      %get3A_60 = arith.constant 0 : index
      %get3A_61 = arith.constant 0 : index
      %get3A_62 = vector.load %arg8[%get3A_58, %get3A_59, %get3A_60, %get3A_61] : memref<1x2x8x256xf32, #tpu.memory_space<vmem>>, vector<1x1x8x256xf32>
      %get3A_63 = vector.shape_cast %get3A_62 : vector<1x1x8x256xf32> to vector<8x256xf32>
      %get3A_64 = arith.constant 0 : index
      %get3A_65 = arith.constant 0 : index
      %get3A_66 = vector.load %arg4[%get3A_64, %get3A_65] : memref<256x256xf32, #tpu.memory_space<vmem>>, vector<256x256xf32>
      %dot_general3A_67 = arith.constant dense<0.000000e+00> : vector<8x256xf32>
      %dot_general3A_68 = tpu.matmul %get3A_57, %get3A_66, %dot_general3A_67 {dimension_numbers = #tpu.dot_dimension_numbers<[1], [0], [0], [1], [0, 0, 1, 1], [], []>, transpose_lhs_hint = false} : vector<8x256xf32>, vector<256x256xf32>, vector<8x256xf32> -> vector<8x256xf32>
      %get3A_69 = arith.constant 0 : index
      %get3A_70 = arith.constant 0 : index
      %get3A_71 = vector.load %arg5[%get3A_69, %get3A_70] : memref<1x256xf32, #tpu.memory_space<vmem>>, vector<1x256xf32>
      %add3A_72 = vector.broadcast %get3A_71 : vector<1x256xf32> to vector<8x256xf32>
      %add3A_73 = arith.addf %dot_general3A_68, %add3A_72 : vector<8x256xf32>
      %integer_pow3A = arith.mulf %add3A_73, %add3A_73 : vector<8x256xf32>
      %integer_pow3A_74 = arith.mulf %add3A_73, %integer_pow3A : vector<8x256xf32>
      %mul3A_75 = arith.constant 4.471500e-02 : f32
      %mul3A_76 = vector.broadcast %mul3A_75 : f32 to vector<8x256xf32>
      %mul3A_77 = arith.mulf %mul3A_76, %integer_pow3A_74 : vector<8x256xf32>
      %add3A_78 = arith.addf %add3A_73, %mul3A_77 : vector<8x256xf32>
      %mul3A_79 = arith.constant 0.797884583 : f32
      %mul3A_80 = vector.broadcast %mul3A_79 : f32 to vector<8x256xf32>
      %mul3A_81 = arith.mulf %mul3A_80, %add3A_78 : vector<8x256xf32>
      %tanh3A = math.tanh %mul3A_81 : vector<8x256xf32>
      %add3A_82 = arith.constant 1.000000e+00 : f32
      %add3A_83 = vector.broadcast %add3A_82 : f32 to vector<8x256xf32>
      %add3A_84 = arith.addf %add3A_83, %tanh3A : vector<8x256xf32>
      %mul3A_85 = arith.constant 5.000000e-01 : f32
      %mul3A_86 = vector.broadcast %mul3A_85 : f32 to vector<8x256xf32>
      %mul3A_87 = arith.mulf %mul3A_86, %add3A_84 : vector<8x256xf32>
      %mul3A_88 = arith.mulf %add3A_73, %mul3A_87 : vector<8x256xf32>
      %add3A_89 = arith.addf %get3A_63, %mul3A_88 : vector<8x256xf32>
      %get3A_90 = arith.constant 0 : index
      %get3A_91 = arith.constant 0 : index
      %get3A_92 = arith.constant 0 : index
      %get3A_93 = vector.load %arg9[%get3A_90, %get3A_91, %get3A_92] : memref<1x8x128xf32, #tpu.memory_space<vmem>>, vector<1x8x128xf32>
      %get3A_94 = vector.shape_cast %get3A_93 : vector<1x8x128xf32> to vector<8x128xf32>
      %get3A_95 = arith.constant 0 : index
      %get3A_96 = arith.constant 0 : index
      %get3A_97 = arith.constant 0 : index
      %get3A_98 = vector.load %arg12[%get3A_95, %get3A_96, %get3A_97] : memref<1x8x1xf32, #tpu.memory_space<vmem>>, vector<1x8x1xf32>
      %get3A_99 = vector.shape_cast %get3A_98 : vector<1x8x1xf32> to vector<8x1xf32>
      %get3A_100 = arith.constant 0 : index
      %get3A_101 = arith.constant 0 : index
      %get3A_102 = arith.constant 0 : index
      %get3A_103 = vector.load %arg13[%get3A_100, %get3A_101, %get3A_102] : memref<1x8x128xf32, #tpu.memory_space<vmem>>, vector<1x8x128xf32>
      %get3A_104 = vector.shape_cast %get3A_103 : vector<1x8x128xf32> to vector<8x128xf32>
      %add3A_105 = vector.broadcast %get3A_99 : vector<8x1xf32> to vector<8x128xf32>
      %add3A_106 = arith.addf %add3A_105, %get3A_104 : vector<8x128xf32>
      %add3A_107 = arith.addf %get3A_94, %add3A_106 : vector<8x128xf32>
      %get3A_108 = arith.constant 0 : index
      %get3A_109 = arith.constant 0 : index
      %get3A_110 = arith.constant 0 : index
      %get3A_111 = vector.load %arg10[%get3A_108, %get3A_109, %get3A_110] : memref<1x8x128xf32, #tpu.memory_space<vmem>>, vector<1x8x128xf32>
      %get3A_112 = vector.shape_cast %get3A_111 : vector<1x8x128xf32> to vector<8x128xf32>
      %add3A_113 = arith.addf %add3A_107, %get3A_112 : vector<8x128xf32>
      %get3A_114 = arith.constant 0 : index
      %get3A_115 = arith.constant 0 : index
      %get3A_116 = vector.load %arg16[%get3A_114, %get3A_115] : memref<256x32xf32, #tpu.memory_space<vmem>>, vector<256x32xf32>
      %dot_general3A_117 = arith.constant dense<0.000000e+00> : vector<8x32xf32>
      %dot_general3A_118 = tpu.matmul %add3A_89, %get3A_116, %dot_general3A_117 {dimension_numbers = #tpu.dot_dimension_numbers<[1], [0], [0], [1], [0, 0, 1, 1], [], []>, transpose_lhs_hint = false} : vector<8x256xf32>, vector<256x32xf32>, vector<8x32xf32> -> vector<8x32xf32>
      %get3A_119 = arith.constant 0 : index
      %get3A_120 = arith.constant 0 : index
      %get3A_121 = vector.load %arg17[%get3A_119, %get3A_120] : memref<128x32xf32, #tpu.memory_space<vmem>>, vector<128x32xf32>
      %dot_general3A_122 = arith.constant dense<0.000000e+00> : vector<8x32xf32>
      %dot_general3A_123 = tpu.matmul %add3A_113, %get3A_121, %dot_general3A_122 {dimension_numbers = #tpu.dot_dimension_numbers<[1], [0], [0], [1], [0, 0, 1, 1], [], []>, transpose_lhs_hint = false} : vector<8x128xf32>, vector<128x32xf32>, vector<8x32xf32> -> vector<8x32xf32>
      %add3A_124 = arith.addf %dot_general3A_118, %dot_general3A_123 : vector<8x32xf32>
      %get3A_125 = arith.constant 0 : index
      %get3A_126 = arith.constant 0 : index
      %get3A_127 = vector.load %arg27[%get3A_125, %get3A_126] : memref<16x32xf32, #tpu.memory_space<vmem>>, vector<16x32xf32>
      %get3A_128 = arith.constant 0 : index
      %get3A_129 = arith.constant 0 : index
      %get3A_130 = arith.constant 0 : index
      %get3A_131 = vector.load %arg11[%get3A_128, %get3A_129, %get3A_130] : memref<1x8x128xf32, #tpu.memory_space<vmem>>, vector<1x8x128xf32>
      %get3A_132 = vector.shape_cast %get3A_131 : vector<1x8x128xf32> to vector<8x128xf32>
      %get3A_133 = arith.constant 0 : index
      %get3A_134 = arith.constant 0 : index
      %get3A_135 = arith.constant 0 : index
      %get3A_136 = vector.load %arg15[%get3A_133, %get3A_134, %get3A_135] : memref<1x8x1xi32, #tpu.memory_space<vmem>>, vector<1x8x1xi32>
      %get3A_137 = vector.shape_cast %get3A_136 : vector<1x8x1xi32> to vector<8x1xi32>
      %and3A = arith.constant 3 : i32
      %and3A_138 = vector.broadcast %and3A : i32 to vector<8x1xi32>
      %and3A_139 = arith.andi %get3A_137, %and3A_138 : vector<8x1xi32>
      %broadcast_in_dim3A_140 = arith.constant 0.000000e+00 : f32
      %broadcast_in_dim3A_141 = vector.broadcast %broadcast_in_dim3A_140 : f32 to vector<8x32xf32>
      %eq3A_142 = arith.constant 0 : i32
      %eq3A_143 = vector.broadcast %eq3A_142 : i32 to vector<8x1xi32>
      %eq3A_144 = arith.cmpi eq, %and3A_139, %eq3A_143 : vector<8x1xi32>
      %slice3A = vector.extract_strided_slice %get3A_132 {offsets = [0, 0], sizes = [8, 32], strides = [1, 1]} : vector<8x128xf32> to vector<8x32xf32>
      %jit3A = arith.constant 0.000000e+00 : f32
      %broadcast_in_dim3A_145 = vector.shape_cast %eq3A_144 : vector<8x1xi1> to vector<8x1xi1>
      %broadcast_in_dim3A_146 = vector.broadcast %broadcast_in_dim3A_145 : vector<8x1xi1> to vector<8x32xi1>
      %broadcast_in_dim3A_147 = vector.broadcast %jit3A : f32 to vector<8x32xf32>
      %select_n3A = arith.select %broadcast_in_dim3A_146, %slice3A, %broadcast_in_dim3A_147 : vector<8x32xi1>, vector<8x32xf32>
      %add3A_148 = arith.addf %broadcast_in_dim3A_141, %select_n3A : vector<8x32xf32>
      %eq3A_149 = arith.constant 1 : i32
      %eq3A_150 = vector.broadcast %eq3A_149 : i32 to vector<8x1xi32>
      %eq3A_151 = arith.cmpi eq, %and3A_139, %eq3A_150 : vector<8x1xi32>
      %slice3A_152 = vector.extract_strided_slice %get3A_132 {offsets = [0, 32], sizes = [8, 32], strides = [1, 1]} : vector<8x128xf32> to vector<8x32xf32>
      %jit3A_153 = arith.constant 0.000000e+00 : f32
      %broadcast_in_dim3A_154 = vector.shape_cast %eq3A_151 : vector<8x1xi1> to vector<8x1xi1>
      %broadcast_in_dim3A_155 = vector.broadcast %broadcast_in_dim3A_154 : vector<8x1xi1> to vector<8x32xi1>
      %broadcast_in_dim3A_156 = vector.broadcast %jit3A_153 : f32 to vector<8x32xf32>
      %select_n3A_157 = arith.select %broadcast_in_dim3A_155, %slice3A_152, %broadcast_in_dim3A_156 : vector<8x32xi1>, vector<8x32xf32>
      %add3A_158 = arith.addf %add3A_148, %select_n3A_157 : vector<8x32xf32>
      %eq3A_159 = arith.constant 2 : i32
      %eq3A_160 = vector.broadcast %eq3A_159 : i32 to vector<8x1xi32>
      %eq3A_161 = arith.cmpi eq, %and3A_139, %eq3A_160 : vector<8x1xi32>
      %slice3A_162 = vector.extract_strided_slice %get3A_132 {offsets = [0, 64], sizes = [8, 32], strides = [1, 1]} : vector<8x128xf32> to vector<8x32xf32>
      %jit3A_163 = arith.constant 0.000000e+00 : f32
      %broadcast_in_dim3A_164 = vector.shape_cast %eq3A_161 : vector<8x1xi1> to vector<8x1xi1>
      %broadcast_in_dim3A_165 = vector.broadcast %broadcast_in_dim3A_164 : vector<8x1xi1> to vector<8x32xi1>
      %broadcast_in_dim3A_166 = vector.broadcast %jit3A_163 : f32 to vector<8x32xf32>
      %select_n3A_167 = arith.select %broadcast_in_dim3A_165, %slice3A_162, %broadcast_in_dim3A_166 : vector<8x32xi1>, vector<8x32xf32>
      %add3A_168 = arith.addf %add3A_158, %select_n3A_167 : vector<8x32xf32>
      %eq3A_169 = arith.constant 3 : i32
      %eq3A_170 = vector.broadcast %eq3A_169 : i32 to vector<8x1xi32>
      %eq3A_171 = arith.cmpi eq, %and3A_139, %eq3A_170 : vector<8x1xi32>
      %slice3A_172 = vector.extract_strided_slice %get3A_132 {offsets = [0, 96], sizes = [8, 32], strides = [1, 1]} : vector<8x128xf32> to vector<8x32xf32>
      %jit3A_173 = arith.constant 0.000000e+00 : f32
      %broadcast_in_dim3A_174 = vector.shape_cast %eq3A_171 : vector<8x1xi1> to vector<8x1xi1>
      %broadcast_in_dim3A_175 = vector.broadcast %broadcast_in_dim3A_174 : vector<8x1xi1> to vector<8x32xi1>
      %broadcast_in_dim3A_176 = vector.broadcast %jit3A_173 : f32 to vector<8x32xf32>
      %select_n3A_177 = arith.select %broadcast_in_dim3A_175, %slice3A_172, %broadcast_in_dim3A_176 : vector<8x32xi1>, vector<8x32xf32>
      %add3A_178 = arith.addf %add3A_168, %select_n3A_177 : vector<8x32xf32>
      %dot_general3A_179 = arith.constant dense<0.000000e+00> : vector<8x16xf32>
      %dot_general3A_180 = tpu.matmul %add3A_178, %get3A_127, %dot_general3A_179 {dimension_numbers = #tpu.dot_dimension_numbers<[1], [1], [0], [0], [0, 0, 1, 0], [], []>, transpose_lhs_hint = false} : vector<8x32xf32>, vector<16x32xf32>, vector<8x16xf32> -> vector<8x16xf32>
      %mul3A_181 = arith.constant 0.176776692 : f32
      %mul3A_182 = vector.broadcast %mul3A_181 : f32 to vector<8x16xf32>
      %mul3A_183 = arith.mulf %dot_general3A_180, %mul3A_182 : vector<8x16xf32>
      %dot_general3A_184 = arith.constant dense<0.000000e+00> : vector<8x16xf32>
      %dot_general3A_185 = tpu.matmul %add3A_124, %get3A_127, %dot_general3A_184 {dimension_numbers = #tpu.dot_dimension_numbers<[1], [1], [0], [0], [0, 0, 1, 0], [], []>, transpose_lhs_hint = false} : vector<8x32xf32>, vector<16x32xf32>, vector<8x16xf32> -> vector<8x16xf32>
      %mul3A_186 = arith.constant 0.176776692 : f32
      %mul3A_187 = vector.broadcast %mul3A_186 : f32 to vector<8x16xf32>
      %mul3A_188 = arith.mulf %dot_general3A_185, %mul3A_187 : vector<8x16xf32>
      %get3A_189 = arith.constant 0 : index
      %get3A_190 = arith.constant 0 : index
      %get3A_191 = arith.constant 0 : index
      %get3A_192 = vector.load %arg15[%get3A_189, %get3A_190, %get3A_191] : memref<1x8x1xi32, #tpu.memory_space<vmem>>, vector<1x8x1xi32>
      %get3A_193 = vector.shape_cast %get3A_192 : vector<1x8x1xi32> to vector<8x1xi32>
      %get3A_194 = arith.constant 0 : index
      %get3A_195 = arith.constant 0 : index
      %get3A_196 = arith.constant 0 : index
      %get3A_197 = vector.load %arg14[%get3A_194, %get3A_195, %get3A_196] : memref<1x1x8xi32, #tpu.memory_space<vmem>>, vector<1x1x8xi32>
      %get3A_198 = vector.shape_cast %get3A_197 : vector<1x1x8xi32> to vector<1x8xi32>
      %eq3A_199 = vector.broadcast %get3A_193 : vector<8x1xi32> to vector<8x8xi32>
      %eq3A_200 = vector.broadcast %get3A_198 : vector<1x8xi32> to vector<8x8xi32>
      %eq3A_201 = arith.cmpi eq, %eq3A_199, %eq3A_200 : vector<8x8xi32>
      %iota3A = tpu.iota {dimensions = array<i32: 1>} : vector<8x8xi32>
      %iota3A_202 = tpu.iota {dimensions = array<i32: 0>} : vector<8x8xi32>
      %gt3A = arith.cmpi sgt, %iota3A, %iota3A_202 : vector<8x8xi32>
      %and3A_203 = arith.andi %eq3A_201, %gt3A : vector<8x8xi1>
      %reduce_or3A = arith.constant 1.000000e+00 : f32
      %reduce_or3A_204 = arith.constant 0.000000e+00 : f32
      %reduce_or3A_205 = vector.broadcast %reduce_or3A : f32 to vector<8x8xf32>
      %reduce_or3A_206 = vector.broadcast %reduce_or3A_204 : f32 to vector<8x8xf32>
      %reduce_or3A_207 = arith.select %and3A_203, %reduce_or3A_205, %reduce_or3A_206 : vector<8x8xi1>, vector<8x8xf32>
      %reduce_or3A_208 = arith.constant dense<0xFF800000> : vector<8xf32>
      %reduce_or3A_209 = vector.multi_reduction <maximumf>, %reduce_or3A_207, %reduce_or3A_208 [1] : vector<8x8xf32> to vector<8xf32>
      %reduce_or3A_210 = arith.constant 0.000000e+00 : f32
      %reduce_or3A_211 = vector.broadcast %reduce_or3A_210 : f32 to vector<8xf32>
      %reduce_or3A_212 = arith.cmpf ogt, %reduce_or3A_209, %reduce_or3A_211 : vector<8xf32>
      %broadcast_in_dim3A_213 = vector.shape_cast %reduce_or3A_212 : vector<8xi1> to vector<8x1xi1>
      %jit3A_214 = arith.constant 0.000000e+00 : f32
      %jit3A_215 = arith.constant 1.000000e+00 : f32
      %broadcast_in_dim3A_216 = vector.broadcast %jit3A_214 : f32 to vector<8x1xf32>
      %broadcast_in_dim3A_217 = vector.broadcast %jit3A_215 : f32 to vector<8x1xf32>
      %select_n3A_218 = arith.select %broadcast_in_dim3A_213, %broadcast_in_dim3A_216, %broadcast_in_dim3A_217 : vector<8x1xi1>, vector<8x1xf32>
      %exp3A_219 = math.exp %mul3A_183 : vector<8x16xf32>
      %mul3A_220 = vector.broadcast %select_n3A_218 : vector<8x1xf32> to vector<8x16xf32>
      %mul3A_221 = arith.mulf %exp3A_219, %mul3A_220 : vector<8x16xf32>
      %exp3A_222 = math.exp %mul3A_188 : vector<8x16xf32>
      %mul3A_223 = vector.broadcast %select_n3A_218 : vector<8x1xf32> to vector<8x16xf32>
      %mul3A_224 = arith.mulf %exp3A_222, %mul3A_223 : vector<8x16xf32>
      %get3A_225 = arith.constant 0 : index
      %get3A_226 = arith.constant 0 : index
      %get3A_227 = vector.load %arg25[%get3A_225, %get3A_226] : memref<1x64xf32, #tpu.memory_space<vmem>>, vector<1x64xf32>
      %get3A_228 = arith.constant 0 : index
      %get3A_229 = arith.constant 0 : index
      %get3A_230 = vector.load %arg23[%get3A_228, %get3A_229] : memref<64x128xf32, #tpu.memory_space<vmem>>, vector<64x128xf32>
      %get3A_231 = arith.constant 0 : index
      %get3A_232 = arith.constant 0 : index
      %get3A_233 = vector.load %arg24[%get3A_231, %get3A_232] : memref<64x128xf32, #tpu.memory_space<vmem>>, vector<64x128xf32>
      %add3A_234 = arith.addf %get3A_230, %get3A_233 : vector<64x128xf32>
      %broadcast_in_dim3A_235 = arith.constant 0.000000e+00 : f32
      %broadcast_in_dim3A_236 = vector.broadcast %broadcast_in_dim3A_235 : f32 to vector<1x16xf32>
      %broadcast_in_dim3A_237 = arith.constant 0.000000e+00 : f32
      %broadcast_in_dim3A_238 = vector.broadcast %broadcast_in_dim3A_237 : f32 to vector<16x32xf32>
      %slice3A_239 = vector.extract_strided_slice %get3A_227 {offsets = [0, 0], sizes = [1, 16], strides = [1, 1]} : vector<1x64xf32> to vector<1x16xf32>
      %add3A_240 = arith.addf %broadcast_in_dim3A_236, %slice3A_239 : vector<1x16xf32>
      %slice3A_241 = vector.extract_strided_slice %add3A_234 {offsets = [0, 0], sizes = [16, 32], strides = [1, 1]} : vector<64x128xf32> to vector<16x32xf32>
      %add3A_242 = arith.addf %broadcast_in_dim3A_238, %slice3A_241 : vector<16x32xf32>
      %slice3A_243 = vector.extract_strided_slice %get3A_227 {offsets = [0, 16], sizes = [1, 16], strides = [1, 1]} : vector<1x64xf32> to vector<1x16xf32>
      %add3A_244 = arith.addf %add3A_240, %slice3A_243 : vector<1x16xf32>
      %slice3A_245 = vector.extract_strided_slice %add3A_234 {offsets = [16, 32], sizes = [16, 32], strides = [1, 1]} : vector<64x128xf32> to vector<16x32xf32>
      %add3A_246 = arith.addf %add3A_242, %slice3A_245 : vector<16x32xf32>
      %slice3A_247 = vector.extract_strided_slice %get3A_227 {offsets = [0, 32], sizes = [1, 16], strides = [1, 1]} : vector<1x64xf32> to vector<1x16xf32>
      %add3A_248 = arith.addf %add3A_244, %slice3A_247 : vector<1x16xf32>
      %slice3A_249 = vector.extract_strided_slice %add3A_234 {offsets = [32, 64], sizes = [16, 32], strides = [1, 1]} : vector<64x128xf32> to vector<16x32xf32>
      %add3A_250 = arith.addf %add3A_246, %slice3A_249 : vector<16x32xf32>
      %slice3A_251 = vector.extract_strided_slice %get3A_227 {offsets = [0, 48], sizes = [1, 16], strides = [1, 1]} : vector<1x64xf32> to vector<1x16xf32>
      %add3A_252 = arith.addf %add3A_248, %slice3A_251 : vector<1x16xf32>
      %slice3A_253 = vector.extract_strided_slice %add3A_234 {offsets = [48, 96], sizes = [16, 32], strides = [1, 1]} : vector<64x128xf32> to vector<16x32xf32>
      %add3A_254 = arith.addf %add3A_250, %slice3A_253 : vector<16x32xf32>
      %sub3A = arith.subf %mul3A_224, %mul3A_221 : vector<8x16xf32>
      %reduce_sum3A_255 = arith.constant dense<0.000000e+00> : vector<16xf32>
      %reduce_sum3A_256 = vector.multi_reduction <add>, %sub3A, %reduce_sum3A_255 [0] : vector<8x16xf32> to vector<16xf32>
      %broadcast_in_dim3A_257 = vector.shape_cast %reduce_sum3A_256 : vector<16xf32> to vector<1x16xf32>
      %add3A_258 = arith.addf %add3A_252, %broadcast_in_dim3A_257 : vector<1x16xf32>
      %dot_general3A_259 = arith.constant dense<0.000000e+00> : vector<16x32xf32>
      %dot_general3A_260 = tpu.matmul %mul3A_224, %add3A_124, %dot_general3A_259 {dimension_numbers = #tpu.dot_dimension_numbers<[0], [0], [1], [1], [0, 1, 1, 1], [], []>, transpose_lhs_hint = false} : vector<8x16xf32>, vector<8x32xf32>, vector<16x32xf32> -> vector<16x32xf32>
      %add3A_261 = arith.addf %add3A_254, %dot_general3A_260 : vector<16x32xf32>
      %dot_general3A_262 = arith.constant dense<0.000000e+00> : vector<16x32xf32>
      %dot_general3A_263 = tpu.matmul %mul3A_221, %add3A_178, %dot_general3A_262 {dimension_numbers = #tpu.dot_dimension_numbers<[0], [0], [1], [1], [0, 1, 1, 1], [], []>, transpose_lhs_hint = false} : vector<8x16xf32>, vector<8x32xf32>, vector<16x32xf32> -> vector<16x32xf32>
      %sub3A_264 = arith.subf %add3A_261, %dot_general3A_263 : vector<16x32xf32>
      %iota3A_265 = tpu.iota {dimensions = array<i32: 0>} : vector<16x16xi32>
      %iota3A_266 = tpu.iota {dimensions = array<i32: 1>} : vector<16x16xi32>
      %eq3A_267 = arith.cmpi eq, %iota3A_265, %iota3A_266 : vector<16x16xi32>
      %jit3A_268 = arith.constant 0.000000e+00 : f32
      %broadcast_in_dim3A_269 = vector.shape_cast %add3A_258 : vector<1x16xf32> to vector<1x16xf32>
      %broadcast_in_dim3A_270 = vector.broadcast %broadcast_in_dim3A_269 : vector<1x16xf32> to vector<16x16xf32>
      %broadcast_in_dim3A_271 = vector.broadcast %jit3A_268 : f32 to vector<16x16xf32>
      %select_n3A_272 = arith.select %eq3A_267, %broadcast_in_dim3A_270, %broadcast_in_dim3A_271 : vector<16x16xi1>, vector<16x16xf32>
      %reduce_sum3A_273 = arith.constant dense<0.000000e+00> : vector<16xf32>
      %reduce_sum3A_274 = vector.multi_reduction <add>, %select_n3A_272, %reduce_sum3A_273 [1] : vector<16x16xf32> to vector<16xf32>
      %broadcast_in_dim3A_275 = vector.shape_cast %reduce_sum3A_274 : vector<16xf32> to vector<16x1xf32>
      %div3A = vector.broadcast %broadcast_in_dim3A_275 : vector<16x1xf32> to vector<16x32xf32>
      %div3A_276 = arith.divf %sub3A_264, %div3A : vector<16x32xf32>
      %get3A_277 = arith.constant 0 : index
      %get3A_278 = arith.constant 0 : index
      %get3A_279 = vector.load %arg26[%get3A_277, %get3A_278] : memref<8x256xf32, #tpu.memory_space<vmem>>, vector<8x256xf32>
      %get3A_280 = arith.constant 0 : index
      %get3A_281 = arith.constant 0 : index
      %get3A_282 = vector.load %arg18[%get3A_280, %get3A_281] : memref<256x256xf32, #tpu.memory_space<vmem>>, vector<256x256xf32>
      %dot_general3A_283 = arith.constant dense<0.000000e+00> : vector<8x256xf32>
      %dot_general3A_284 = tpu.matmul %get3A_279, %get3A_282, %dot_general3A_283 {dimension_numbers = #tpu.dot_dimension_numbers<[1], [0], [0], [1], [0, 0, 1, 1], [], []>, transpose_lhs_hint = false} : vector<8x256xf32>, vector<256x256xf32>, vector<8x256xf32> -> vector<8x256xf32>
      %slice3A_285 = vector.extract_strided_slice %div3A_276 {offsets = [0, 0], sizes = [8, 32], strides = [1, 1]} : vector<16x32xf32> to vector<8x32xf32>
      %get3A_286 = arith.constant 0 : index
      %get3A_287 = arith.constant 0 : index
      %get3A_288 = vector.load %arg19[%get3A_286, %get3A_287] : memref<32x256xf32, #tpu.memory_space<vmem>>, vector<32x256xf32>
      %dot_general3A_289 = arith.constant dense<0.000000e+00> : vector<8x256xf32>
      %dot_general3A_290 = tpu.matmul %slice3A_285, %get3A_288, %dot_general3A_289 {dimension_numbers = #tpu.dot_dimension_numbers<[1], [0], [0], [1], [0, 0, 1, 1], [], []>, transpose_lhs_hint = false} : vector<8x32xf32>, vector<32x256xf32>, vector<8x256xf32> -> vector<8x256xf32>
      %add3A_291 = arith.addf %dot_general3A_284, %dot_general3A_290 : vector<8x256xf32>
      %slice3A_292 = vector.extract_strided_slice %div3A_276 {offsets = [8, 0], sizes = [8, 32], strides = [1, 1]} : vector<16x32xf32> to vector<8x32xf32>
      %get3A_293 = arith.constant 0 : index
      %get3A_294 = arith.constant 0 : index
      %get3A_295 = vector.load %arg20[%get3A_293, %get3A_294] : memref<32x256xf32, #tpu.memory_space<vmem>>, vector<32x256xf32>
      %dot_general3A_296 = arith.constant dense<0.000000e+00> : vector<8x256xf32>
      %dot_general3A_297 = tpu.matmul %slice3A_292, %get3A_295, %dot_general3A_296 {dimension_numbers = #tpu.dot_dimension_numbers<[1], [0], [0], [1], [0, 0, 1, 1], [], []>, transpose_lhs_hint = false} : vector<8x32xf32>, vector<32x256xf32>, vector<8x256xf32> -> vector<8x256xf32>
      %add3A_298 = arith.addf %add3A_291, %dot_general3A_297 : vector<8x256xf32>
      %swap3A_299 = arith.constant 0 : index
      %swap3A_300 = arith.constant 0 : index
      %swap3A_301 = arith.constant 0 : index
      %swap3A_302 = vector.load %arg21[%swap3A_299, %swap3A_300, %swap3A_301] : memref<1x8x256xf32, #tpu.memory_space<vmem>>, vector<1x8x256xf32>
      %swap3A_303 = vector.shape_cast %swap3A_302 : vector<1x8x256xf32> to vector<8x256xf32>
      %swap3A_304 = vector.shape_cast %add3A_298 : vector<8x256xf32> to vector<1x8x256xf32>
      tpu.vector_store %arg21[%swap3A_299, %swap3A_300, %swap3A_301], %swap3A_304 {strides = array<i32>} : memref<1x8x256xf32, #tpu.memory_space<vmem>>, vector<1x8x256xf32>,
    } else {
    }
    return
  }
  func.func @transform_0(%arg0: i32, %arg1: i32) -> (i32, i32) {
    %mul3A = arith.constant 2 : i32
    %mul3A_0 = arith.muli %arg0, %mul3A : i32
    %add3A = arith.addi %mul3A_0, %arg1 : i32
    %c0_i32 = arith.constant 0 : i32
    %c0_i32_1 = arith.constant 0 : i32
    return %add3A, %c0_i32 : i32, i32
  }
  func.func @transform_1(%arg0: i32, %arg1: i32) -> (i32, i32, i32, i32) {
    %c0_i32 = arith.constant 0 : i32
    %c0_i32_0 = arith.constant 0 : i32
    %c0_i32_1 = arith.constant 0 : i32
    %c0_i32_2 = arith.constant 0 : i32
    return %arg0, %c0_i32, %c0_i32_0, %c0_i32_1 : i32, i32, i32, i32
  }
  func.func @transform_2(%arg0: i32, %arg1: i32) -> (i32, i32) {
    %c0_i32 = arith.constant 0 : i32
    %c0_i32_0 = arith.constant 0 : i32
    %c0_i32_1 = arith.constant 0 : i32
    return %c0_i32, %c0_i32_0 : i32, i32
  }
  func.func @transform_3(%arg0: i32, %arg1: i32) -> (i32, i32) {
    %c0_i32 = arith.constant 0 : i32
    %c0_i32_0 = arith.constant 0 : i32
    %c0_i32_1 = arith.constant 0 : i32
    return %c0_i32, %c0_i32_0 : i32, i32
  }
  func.func @transform_4(%arg0: i32, %arg1: i32) -> (i32, i32) {
    %c0_i32 = arith.constant 0 : i32
    %c0_i32_0 = arith.constant 0 : i32
    %c0_i32_1 = arith.constant 0 : i32
    return %c0_i32, %c0_i32_0 : i32, i32
  }
  func.func @transform_5(%arg0: i32, %arg1: i32) -> (i32, i32) {
    %c0_i32 = arith.constant 0 : i32
    %c0_i32_0 = arith.constant 0 : i32
    %c0_i32_1 = arith.constant 0 : i32
    return %c0_i32, %c0_i32_0 : i32, i32
  }
  func.func @transform_6(%arg0: i32, %arg1: i32) -> (i32, i32, i32, i32) {
    %c0_i32 = arith.constant 0 : i32
    %c0_i32_0 = arith.constant 0 : i32
    %c0_i32_1 = arith.constant 0 : i32
    %c0_i32_2 = arith.constant 0 : i32
    return %arg0, %c0_i32, %c0_i32_0, %c0_i32_1 : i32, i32, i32, i32
  }
  func.func @transform_7(%arg0: i32, %arg1: i32) -> (i32, i32, i32) {
    %c0_i32 = arith.constant 0 : i32
    %c0_i32_0 = arith.constant 0 : i32
    %c0_i32_1 = arith.constant 0 : i32
    return %arg0, %c0_i32, %c0_i32_0 : i32, i32, i32
  }
  func.func @transform_8(%arg0: i32, %arg1: i32) -> (i32, i32, i32) {
    %c0_i32 = arith.constant 0 : i32
    %c0_i32_0 = arith.constant 0 : i32
    %c0_i32_1 = arith.constant 0 : i32
    return %arg0, %c0_i32, %c0_i32_0 : i32, i32, i32
  }
  func.func @transform_9(%arg0: i32, %arg1: i32) -> (i32, i32, i32) {
    %c0_i32 = arith.constant 0 : i32
    %c0_i32_0 = arith.constant 0 : i32
    %c0_i32_1 = arith.constant 0 : i32
    return %arg0, %c0_i32, %c0_i32_0 : i32, i32, i32
  }
  func.func @transform_10(%arg0: i32, %arg1: i32) -> (i32, i32, i32) {
    %c0_i32 = arith.constant 0 : i32
    %c0_i32_0 = arith.constant 0 : i32
    %c0_i32_1 = arith.constant 0 : i32
    return %arg0, %c0_i32, %c0_i32_0 : i32, i32, i32
  }
  func.func @transform_11(%arg0: i32, %arg1: i32) -> (i32, i32, i32) {
    %c0_i32 = arith.constant 0 : i32
    %c0_i32_0 = arith.constant 0 : i32
    %c0_i32_1 = arith.constant 0 : i32
    return %arg0, %c0_i32, %c0_i32_0 : i32, i32, i32
  }
  func.func @transform_12(%arg0: i32, %arg1: i32) -> (i32, i32, i32) {
    %c0_i32 = arith.constant 0 : i32
    %c0_i32_0 = arith.constant 0 : i32
    %c0_i32_1 = arith.constant 0 : i32
    return %arg0, %c0_i32, %c0_i32_0 : i32, i32, i32
  }
  func.func @transform_13(%arg0: i32, %arg1: i32) -> (i32, i32, i32) {
    %c0_i32 = arith.constant 0 : i32
    %c0_i32_0 = arith.constant 0 : i32
    %c0_i32_1 = arith.constant 0 : i32
    return %arg0, %c0_i32, %c0_i32_0 : i32, i32, i32
  }
  func.func @transform_14(%arg0: i32, %arg1: i32) -> (i32, i32) {
    %c0_i32 = arith.constant 0 : i32
    %c0_i32_0 = arith.constant 0 : i32
    %c0_i32_1 = arith.constant 0 : i32
    return %c0_i32, %c0_i32_0 : i32, i32
  }
  func.func @transform_15(%arg0: i32, %arg1: i32) -> (i32, i32) {
    %c0_i32 = arith.constant 0 : i32
    %c0_i32_0 = arith.constant 0 : i32
    %c0_i32_1 = arith.constant 0 : i32
    return %c0_i32, %c0_i32_0 : i32, i32
  }
  func.func @transform_16(%arg0: i32, %arg1: i32) -> (i32, i32) {
    %c0_i32 = arith.constant 0 : i32
    %c0_i32_0 = arith.constant 0 : i32
    %c0_i32_1 = arith.constant 0 : i32
    return %c0_i32, %c0_i32_0 : i32, i32
  }
  func.func @transform_17(%arg0: i32, %arg1: i32) -> (i32, i32) {
    %c0_i32 = arith.constant 0 : i32
    %c0_i32_0 = arith.constant 0 : i32
    %c0_i32_1 = arith.constant 0 : i32
    return %c0_i32, %c0_i32_0 : i32, i32
  }
  func.func @transform_18(%arg0: i32, %arg1: i32) -> (i32, i32) {
    %c0_i32 = arith.constant 0 : i32
    %c0_i32_0 = arith.constant 0 : i32
    %c0_i32_1 = arith.constant 0 : i32
    return %c0_i32, %c0_i32_0 : i32, i32
  }
  func.func @transform_19(%arg0: i32, %arg1: i32) -> (i32, i32, i32) {
    %c0_i32 = arith.constant 0 : i32
    %c0_i32_0 = arith.constant 0 : i32
    %c0_i32_1 = arith.constant 0 : i32
    return %arg0, %c0_i32, %c0_i32_0 : i32, i32, i32
  }
}

</mosaic_0001>

<sc_bundles>
// kernel: kernel.4.cloned.1.call-start
scs
__scs_entry_jumppad:
0x0: {  	(pc) =	sbr.rel $0x88, $3  }
0x1: {  	(tag) =	ssettag $0x0;
	lr =	simm.s32 $0x1  }
0x2: {  	[smem:$0x3F93] =	sst lr;
	_ =	strace $0xD0000000  }
0x3: {  	_ = 	snop  }
0x4: {  	_ = 	snop  }
0x5: {  	_ = 	snop  }
0x6: {  	_ = 	snop  }
0x7: {  	_ = 	snop  }
__scs_overlays_trampoline_lowered:
0x8: {  	[smem:$0x3FA2] =	sst s0  }
0x9: {  	[smem:$0x3FA3] =	sst s1  }
0xa: {  	[smem:$0x3FA4] =	sst s2  }
0xb: {  	[smem:$0x3FA5] =	sst s3  }
0xc: {  	[smem:$0x3FA6] =	sst s4  }
0xd: {  	[smem:$0x3FA7] =	sst s5  }
0xe: {  	[smem:$0x3FA8] =	sst s6  }
0xf: {  	[smem:$0x3FA9] =	sst s7  }
0x10: {  	[smem:$0x3FAA] =	sst s8  }
0x11: {  	[smem:$0x3FAB] =	sst s9;
	s0 =	simm.s32 @!p0 $0x0  }
0x12: {  	s1 =	sld [smem:$0x3F91];
	s0 =	simm.s32 @p0 $0x1  }
0x13: {  	[smem:$0x3FAC] =	sst s0;
	s0 =	simm.s32 @!p1 $0x0  }
0x14: {  	s2 =	sld [smem:$0x3F90];
	s0 =	simm.s32 @p1 $0x1  }
0x15: {  	[smem:$0x3FAD] =	sst s0;
	s0 =	simm.s32 @!p2 $0x0  }
0x16: {  	s3 =	sld [smem:$0x3FDB];
	s0 =	simm.s32 @p2 $0x1  }
0x17: {  	s4 =	simm.s32 $0x1BF5;
	[smem:$0x3FAF] =	sst s0  }
0x18: {  	s0 =	sld [smem:$0x3F92];
	_ =	swait.ge [sflag:s4], $0x0  }
0x19: {  	s7 =	sld [smem:$0x3F93]  }
0x1a: {  	s8 =	sadd.s32 $0xFFFFE003, lr  }
0x1b: {  	s9 =	sadd.s32 $0xFFFFFEF7, lr;
	s5 =	simm.s32 $0xFFFFFFFF;
	p2 =	slt.u32 s8, $0xFFFFF086  }
0x1c: {  	p1 =	slt.u32 s9, $0xF7A;
	s5 =	simm.s32 @!p2 $0x0  }
0x1d: {  	s5 =	simm.s32 @p1 $0x1;
	p0 =	seq.s32 s7, s2  }
0x1e: {  	s7 =	smul.u32 @!p0 $0xF7A, s2;
	p2 =	seq.s32 @!p0 s5, $0x0  }
0x1f: {  	s9 =	smul.u32 $0xF7A, s1;
	s8 =	simm.s32 @!p0 $0x1BF5;
	p2 =	por !p2, p0  }
0x20: {  	[sflag:s8] =	ssyncset.s32 @!p0 $0xFFFFF086;
	s6 =	sadd.s32 @!p0 s3, s7;
	s7 =	simm.s32 @!p0 $0x108  }
0x21: {  	s3 =	sadd.s32 s3, s9;
	s6 =	sadd.s32 @!p0 $0x88, s6;
	s7 =	simm.s32 @p2 $0x1082  }
0x22: {  	[simem:s7], [sflag:s8] =	dma.local @!p0 [hbm:s6], $0xF7A  }
0x23: {  	s9 =	sor.u32 $0xD0000000, s2;
	s6 =	simm.s32 $0x108;
	_ =	swait.ge @!p0 [sflag:s8], $0x0  }
0x24: {  	s3 =	sadd.s32 $0x88, s3;
	s6 =	simm.s32 @!p1 $0x1082;
	[sflag:s4] =	ssyncset.s32 $0xFFFFF086  }
0x25: {  	[simem:s6], [sflag:s4] =	dma.local [hbm:s3], $0xF7A  }
0x26: {  	[smem:$0x3F93] =	sst s1;
	(tag) =	ssettag s2;
	_ =	strace s9  }
0x27: {  	s1 =	sld [smem:$0x3FA3]  }
0x28: {  	s2 =	sld [smem:$0x3FA4]  }
0x29: {  	s4 =	sld [smem:$0x3FA6]  }
0x2a: {  	p0 =	seq.s32 s5, $0x0;
	s5 =	sld [smem:$0x3FA7]  }
0x2b: {  	s6 =	sld [smem:$0x3FA8]  }
0x2c: {  	s7 =	sld [smem:$0x3FA9]  }
0x2d: {  	s3 =	simm.s32 $0x108;
	s8 =	sld [smem:$0x3FAA]  }
0x2e: {  	s3 =	simm.s32 @!p0 $0x1082;
	s9 =	sld [smem:$0x3FAB]  }
0x2f: {  	lr =	sadd.s32 s0, s3;
	s0 =	sld [smem:$0x3FA2]  }
0x30: {  	s3 =	sld [smem:$0x3FA5]  }
0x31: {  	[smem:$0x3FAE] =	sst s10  }
0x32: {  	s10 =	sld [smem:$0x3FAC];
	_ =	sdelay $0x3  }
0x33: {  	p0 =	seq.s32 s10, $0x1;
	s10 =	sld [smem:$0x3FAE];
	_ =	sdelay $0x3  }
0x34: {  	[smem:$0x3FAE] =	sst s10  }
0x35: {  	s10 =	sld [smem:$0x3FAD];
	_ =	sdelay $0x3  }
0x36: {  	p1 =	seq.s32 s10, $0x1;
	s10 =	sld [smem:$0x3FAE];
	_ =	sdelay $0x3  }
0x37: {  	[smem:$0x3FAE] =	sst s10  }
0x38: {  	s10 =	sld [smem:$0x3FAF]  }
0x39: {  	_ = 	snop;
	(pc) =	sbr.ind lr, $3  }
0x3a: {  	_ = 	snop  }
0x3b: {  	_ = 	snop  }
0x3c: {  	p2 =	seq.s32 s10, $0x1;
	s10 =	sld [smem:$0x3FAE]  }
0x3d: {  	_ =	shalt  }
0x3e: {  	_ =	shalt  }
0x3f: {  	_ =	shalt  }
0x40: {  	_ =	shalt  }
0x41: {  	_ =	shalt  }
0x42: {  	_ =	shalt  }
0x43: {  	_ =	shalt  }
0x44: {  	_ =	shalt  }
0x45: {  	_ =	shalt  }
0x46: {  	_ =	shalt  }
0x47: {  	_ =	shalt  }
0x48: {  	_ =	shalt  }
0x49: {  	_ =	shalt  }
0x4a: {  	_ =	shalt  }
0x4b: {  	_ =	shalt  }
0x4c: {  	_ =	shalt  }
0x4d: {  	_ =	shalt  }
0x4e: {  	_ =	shalt  }
0x4f: {  	_ =	shalt  }
0x50: {  	_ =	shalt  }
0x51: {  	_ =	shalt  }
0x52: {  	_ =	shalt  }
0x53: {  	_ =	shalt  }
0x54: {  	_ =	shalt  }
0x55: {  	_ =	shalt  }
0x56: {  	_ =	shalt  }
0x57: {  	_ =	shalt  }
0x58: {  	_ =	shalt  }
0x59: {  	_ =	shalt  }
0x5a: {  	_ =	shalt  }
0x5b: {  	_ =	shalt  }
0x5c: {  	_ =	shalt  }
0x5d: {  	_ =	shalt  }
0x5e: {  	_ =	shalt  }
0x5f: {  	_ =	shalt  }
0x60: {  	_ =	shalt  }
0x61: {  	_ =	shalt  }
0x62: {  	_ =	shalt  }
0x63: {  	_ =	shalt  }
0x64: {  	_ =	shalt  }
0x65: {  	_ =	shalt  }
0x66: {  	_ =	shalt  }
0x67: {  	_ =	shalt  }
0x68: {  	_ =	shalt  }
0x69: {  	_ =	shalt  }
0x6a: {  	_ =	shalt  }
0x6b: {  	_ =	shalt  }
0x6c: {  	_ =	shalt  }
0x6d: {  	_ =	shalt  }
0x6e: {  	_ =	shalt  }
0x6f: {  	_ =	shalt  }
0x70: {  	_ =	shalt  }
0x71: {  	_ =	shalt  }
0x72: {  	_ =	shalt  }
0x73: {  	_ =	shalt  }
0x74: {  	_ =	shalt  }
0x75: {  	_ =	shalt  }
0x76: {  	_ =	shalt  }
0x77: {  	_ =	shalt  }
0x78: {  	_ =	shalt  }
0x79: {  	_ =	shalt  }
0x7a: {  	_ =	shalt  }
0x7b: {  	_ =	shalt  }
0x7c: {  	_ =	shalt  }
0x7d: {  	_ =	shalt  }
0x7e: {  	_ =	shalt  }
0x7f: {  	_ =	shalt  }
0x80: {  	_ =	shalt  }
0x81: {  	_ =	shalt  }
0x82: {  	_ =	shalt  }
0x83: {  	_ =	shalt  }
0x84: {  	_ =	shalt  }
0x85: {  	_ =	shalt  }
0x86: {  	_ =	shalt  }
0x87: {  	_ =	shalt  }
.Lfunc_end0:
.L_simem_size_0:
called_computation_lowered:
.L_overlay_start_0:
0x88: {  	s2 =	sld [smem:$0x3FD9]  }
0x89: {  	s3 =	sld [smem:$0x3FFE];
	_ =	sdelay $0x1  }
0x8a: {  	s1 =	srdreg.scid  }
0x8b: {  	s0 =	sand.u32 $0x1, s1  }
0x8c: {  	s17 =	sshll.u32 s0, $0xA;
	s2 =	sadd.s32 s3, s2  }
0x8d: {  	s2 =	sadd.s32 s2, s17  }
0x8e: {  	[smem:$0x3FBA] =	sst s2  }
0x8f: {  	_ = 	snop  }
0x90: {  	s2 =	sld [smem:$0x3FC0]  }
0x91: {  	s18 =	sld [smem:$0x3FBF]  }
0x92: {  	s4 =	sld [smem:$0x3FD0];
	(tm) =	ssettm $0x1  }
0x93: {  	s5 =	sld [smem:$0x3FFB];
	_ =	sdelay $0x3  }
0x94: {  	_ =	strace s5  }
0x95: {  	s5 =	sld [smem:$0x3FFC];
	_ =	sdelay $0x3  }
0x96: {  	_ =	strace s5  }
0x97: {  	s5 =	sld [smem:$0x3FFD];
	_ =	sdelay $0x3  }
0x98: {  	_ =	strace s5  }
0x99: {  	_ =	strace $0x8FFFFFFF  }
0x9a: {  	s19 =	sld [smem:$0x3FDB];
	_ =	sdelay $0x1  }
0x9b: {  	s6 =	simm.s32 $_scs_section_size  }
0x9c: {  	s7 =	simm.s32 $_size__tile_overlayer_lowered;
	s8 =	simm.s32 $_tile_overlayer_lowered  }
0x9d: {  	s22 =	simm.s32 $0x1BFF;
	s21 =	sshll.u32 s8, $0x1;
	s5 =	sadd.s32 s6, s19  }
0x9e: {  	s9 =	simm.s32 $0x0;
	s20 =	sshll.u32 s7, $0x1;
	s7 =	sadd.s32 s21, s5  }
0x9f: {  	[timem:s9], [sflag:s22] =	dma.local [hbm:s7], s20  }
0xa0: {  	_ =	swait.ge [sflag:s22], s20  }
0xa1: {  	s6 =	ssub.s32 $0x0, s20;
	[sflag:s22] =	ssyncset.done $0x0  }
0xa2: {  	[sflag:s22] =	ssyncadd.s32 s6;
	_ =	sdelay $0x1  }
0xa3: {  	s23 =	simm.s32 $0x1B8B  }
0xa4: {  	_ =	swait.ge [sflag:s23], $0x1  }
0xa5: {  	[sflag:s23] =	ssyncset.done $0x0  }
0xa6: {  	s25 =	simm.s32 $0x1B8E;
	s24 =	sld [smem:$0x3FFE];
	[sflag:s23] =	ssyncadd.s32 $0xFFFFFFFF  }
0xa7: {  	s26 =	simm.s32 $execute0_lowered;
	[smem:$0x3FD2] =	sst s25  }
0xa8: {  	s7 =	sshll.u32 s26, $0x1;
	_ =	strace $0x80000046;
	[dreg:$0x1] =	wrdreg $0xFFFFFFFF  }
0xa9: {  	s28 =	simm.s32 $_size_execute0_lowered;
	s5 =	sadd.s32 s5, s7;
	[dreg:$0x0] =	wrdreg $0x0  }
0xaa: {  	s7 =	sshll.u32 s28, $0x1;
	[dreg:$0x2] =	wrdreg s5  }
0xab: {  	[dreg:$0x3] =	wrdreg s7  }
0xac: {  	[dreg:$0x4] =	wrdreg $0xC0  }
0xad: {  	_ =	task [dreg:s9], $0x5FFFF  }
0xae: {  	[dreg:$0x1] =	wrdreg $0xFFFFFFFF  }
0xaf: {  	[dreg:$0x0] =	wrdreg $0x60  }
0xb0: {  	[dreg:$0x2] =	wrdreg s2  }
0xb1: {  	[dreg:$0x3] =	wrdreg s18  }
0xb2: {  	[dreg:$0x4] =	wrdreg s24  }
0xb3: {  	[dreg:$0x5] =	wrdreg s4  }
0xb4: {  	[dreg:$0x6] =	wrdreg $0x9  }
0xb5: {  	_ =	task.clear_ibuf [dreg:s9], $0x7FFFF;
	_ =	strace $0x90000046  }
0xb6: {  	s29 =	simm.s32 $0x9;
	_ =	strace $0x80000048  }
0xb7: {  	_ =	swait.ge [sflag:s29], $0x1  }
0xb8: {  	[sflag:s29] =	ssyncadd.s32 $0xFFFFFFFF  }
0xb9: {  	_ =	strace $0x90000048  }
0xba: {  	_ =	sfence  }
0xbb: {  	s30 =	sld [smem:$0x0];
	_ =	sdelay $0x2  }
0xbc: {  	s31 =	sshll.u32 s1, $0xD;
	s1 =	sshrl.u32 s1, $0x2  }
0xbd: {  	s3 =	sand.u32 $0x4000, s31;
	s1 =	sadd.s32 s1, s30  }
0xbe: {  	s0 =	sor.u32 s3, s0;
	s1 =	sshll.u32 s1, $0x11  }
0xbf: {  	s0 =	sor.u32 s1, s0  }
0xc0: {  	s0 =	sadd.s32 $0x8F2B, s0  }
0xc1: {  	[sflag:s0] =	ssyncadd.remote.s32 $0x1  }
0xc2: {  	_ =	sfence.sel $0xFFFF  }
0xc3: {  	[dreg:$0x0] =	wrdreg $0xFFFFFFFF;
	(pc) =	sbr.abs _section_cstart, $3  }
0xc4: {  	[dreg:$0x1] =	wrdreg $0xFFFFFFFF  }
0xc5: {  	_ =	task.clear_ibuf [dreg:s9], $0x2FFFF;
	_ =	strace $0x9FFFFFFF  }
0xc6: {  	(tm) =	ssettm $0x7FFFFFFF  }
0xc7: {  	_ =	shalt  }
tec
execute0_lowered:
.L_overlay_start_1:
0x0: {  	(tag) =	ssettag $0x1  }
0x1: {  	s2 =	rddreg [dreg:$0x0]  }
0x2: {  	s3 =	rddreg [dreg:$0x1]  }
0x3: {  	s7 =	rddreg [dreg:$0x2]  }
0x4: {  	s13 =	rddreg [dreg:$0x3];
	s1 =	stileid.u32  }
0x5: {  	s0 =	rddreg [dreg:$0x4];
	s5 =	srdreg.scid;
	s4 =	simm.s32 $0x0  }
0x6: {  	s15 =	simm.s32 $0x2;
	s17 =	simm.s32 $0x80;
	s6 =	sshll.u32 s1, $0x1  }
0x7: {  	s5 =	sand.u32 $0x1, s5;
	[smem:$0x7FF] =	sst s4;
	s16 =	sshrl.u32 s1, $0x2  }
0x8: {  	s6 =	sand.u32 $0x6, s6;
	_ =	strace $0x80000047;
	s9 =	ssub.s32 $0x2, s5  }
0x9: {  	p0 =	seq.s32 s16, $0x0;
	p1 =	sgt.s32 s16, $0x1;
	p2 =	seq.s32 s16, $0x2  }
0xa: {  	s16 =	simm.s32 $0x10;
	s8 =	sor.u32 s5, s6;
	s5 =	sadd.s32 $0x1003200, s7  }
.Ltmp0:
0xb: {  	v0 =	vlaneseq.u32;
	s10 =	sshrl.u32 s9, $0x1;
	s6 =	sadd.s32 $0x3800, s7;
	(pc) =	sbr.rel .LBB2_1-.Ltmp0, $4  }
0xc: {  	v0 =	vshrl.u32 v0, $0x3;
	s12 =	sshll.u32 s8, $0x1;
	s14 =	ssub.s32 s9, s10;
	s8 =	sshll.u32 s8, $0x8  }
0xd: {  	v0 =	vmul.u32 $0x10000, v0;
	s6 =	smov.u32 @p0 s13;
	s13 =	simm.s32 $0x1;
	s11 =	sadd.s32 s12, s7;
	v1 =	vmov s12  }
0xe: {  	s7 =	sadd.s32 $0x4000, s7;
	s12 =	smax.u32 s14, $0x1;
	s14 =	simm.s32 $0x100;
	v1 =	vshll.u32 v1, $0x10  }
0xf: {  	s9 =	sadd.s32 $0x3600, s11;
	s10 =	sadd.s32 $0x3400, s11;
	s11 =	sadd.s32 $0x3200, s11;
	v0 =	vor.u32 v0, v1  }
.LBB2_2:
0x10: {  	s18 =	simm.s32 @p0 $0x0;
	s19 =	simm.s32 @p0 $0x2  }
0x11: {  	[tilespmem:s18], [sflag:$0x2] =	stream.linear.gather @p0 [hbm4b:s11+s18], $0x10, $0x38;
	[tilespmem:$0x900] =	vst v63  }
0x12: {  	_ =	swait.ge @p0 [sflag:s19], $0x10  }
0x13: {  	[sflag:s19] =	ssyncset.done @p0 $0x0  }
0x14: {  	s20 =	simm.s32 @p0 $0x100;
	[sflag:s19] =	ssyncadd.s32 @p0 $0xFFFFFFF0;
	s19 =	simm.s32 @p0 $0x10  }
0x15: {  	[tilespmem:s20], [sflag:$0x1] =	stream.indirect.gather @p0 [hbm4b:s2+s19], $0x80, s18, s19, $0xb8;
	[tilespmem:$0x900] =	vst v63  }
0x16: {  	s18 =	simm.s32 @!p0 $0x0;
	s19 =	simm.s32 @!p0 $0x2  }
0x17: {  	[tilespmem:s18], [sflag:$0x2] =	stream.linear.gather @!p0 [hbm4b:s10+s18], $0x10, $0x38;
	[tilespmem:$0x900] =	vst v63  }
0x18: {  	_ =	swait.ge @!p0 [sflag:s19], $0x10  }
0x19: {  	[sflag:s19] =	ssyncset.done @!p0 $0x0  }
0x1a: {  	s20 =	simm.s32 @!p0 $0x100;
	[sflag:s19] =	ssyncadd.s32 @!p0 $0xFFFFFFF0;
	s19 =	simm.s32 @!p0 $0x10  }
0x1b: {  	[tilespmem:s20], [sflag:$0x1] =	stream.indirect.gather @!p0 [hbm4b:s3+s19], $0x80, s18, s19, $0xb8;
	[tilespmem:$0x900] =	vst v63  }
0x1c: {  	s18 =	smov.u32 s6  }
.LBB2_5:
0x1d: {  	_ =	swait.ge [sflag:s13], $0x800  }
0x1e: {  	[sflag:s13] =	ssyncset.done $0x0  }
0x1f: {  	s18 =	sadd.s32 s18, s8;
	[sflag:s13] =	ssyncadd.s32 $0xFFFFF800  }
0x20: {  	[hbm4b:s18+s4] =	stream.linear.scatter [tilespmem:s14], [sflag:$0x2], $0x800, $0x38;
	[tilespmem:$0x900] =	vst v63  }
0x21: {  	_ =	swait.ge [sflag:s15], $0x800  }
0x22: {  	[sflag:s15] =	ssyncset.done $0x0  }
0x23: {  	[sflag:s15] =	ssyncadd.s32 $0xFFFFF800  }
.LBB2_6:
0x24: {  	s12 =	sadd.s32 $0xFFFFFFFF, s12  }
0x25: {  	p3 =	sne.s32 s12, $0x0  }
.Ltmp1:
0x26: {  	_ = 	snop;
	(pc) =	sbr.rel @!p3 .LBB2_7-.Ltmp1, $1  }
0x27: {  	_ =	sdelay $0x3  }
.LBB2_1:
.Ltmp2:
0x28: {  	(pc) =	sbr.rel @!p1 .LBB2_2-.Ltmp2, $1  }
0x29: {  	_ =	sdelay $0x3  }
.Ltmp3:
0x2a: {  	(pc) =	sbr.rel @!p2 .LBB2_6-.Ltmp3, $1  }
0x2b: {  	_ =	sdelay $0x3  }
0x2c: {  	[tilespmem:s4], [sflag:$0x2] =	stream.linear.gather [hbm4b:s9+s4], $0x10, $0x38;
	[tilespmem:$0x900] =	vst v63  }
0x2d: {  	_ =	swait.ge [sflag:s15], $0x10  }
0x2e: {  	[sflag:s15] =	ssyncset.done $0x0  }
0x2f: {  	[sflag:s15] =	ssyncadd.s32 $0xFFFFFFF0  }
0x30: {  	v1 =	vld [tilespmem:$0x0];
	_ =	sdelay $0x3  }
.Ltmp4:
0x31: {  	_ = 	snop;
	(pc) =	sbr.rel .LBB2_5-.Ltmp4, $4  }
0x32: {  	v1 =	vadd.s32 v0, v1  }
0x33: {  	v1 =	vshrl.u32 v1, $0x2  }
0x34: {  	s18 =	smov.u32 s7;
	[tilespmem:$0x80] =	vst v1  }
0x35: {  	[tilespmem:s14], [sflag:$0x1] =	stream.indirect.gather [hbm4b:s5+s16], $0x80, s17, s16, $0xb8;
	[tilespmem:$0x900] =	vst v63  }
.LBB2_7:
0x36: {  	_ =	sfence.sel $0x180000  }
0x37: {  	[bflag:$0x0] =	sbarrier.arrive $0xFFFF  }
0x38: {  	p0 =	sne.s32 s1, $0x0;
	_ =	strace $0x90000047  }
0x39: {  	s0 =	sadd.s32 @!p0 $0x100000, s0;
	[bflag:$0x2] =	sbarrier.arrive $0xFFFF  }
0x3a: {  	[sflag:s0] =	ssyncadd.tile.s32 @!p0 $0x1;
	_ =	shalt  }
.Lfunc_end2:
_tile_overlayer_lowered:
.L_overlay_start_2:
0x3b: {  	(tag) =	ssettag $0x2  }
0x3c: {  	s0 =	rddreg [dreg:$0x0];
	s2 =	stileid.u32  }
0x3d: {  	s1 =	rddreg [dreg:$0x1];
	p0 =	sne.s32 s2, $0x0  }
0x3e: {  	s3 =	rddreg [dreg:$0x2];
	[bflag:$0x3] =	sbarrier.arrive $0xFFFF;
	s2 =	simm.s32 @!p0 $0x1C02  }
0x3f: {  	[timem:s3], [sflag:s2] =	dma.local @!p0 [hbm:s0], s1  }
0x40: {  	s0 =	simm.s32 @!p0 $0x2  }
0x41: {  	_ =	swait.ge @!p0 [sflag:s0], s1  }
0x42: {  	s1 =	ssub.s32 @!p0 $0x0, s1;
	[sflag:s0] =	ssyncset.done @!p0 $0x0  }
0x43: {  	[sflag:s0] =	ssyncadd.s32 @!p0 s1  }
0x44: {  	[bflag:$0x3] =	sbarrier.arrive $0xFFFF  }
0x45: {  	_ =	shalt  }

</sc_bundles>
